<compile_context>
chip_gen: v7x
topology: tpu7x:2x2x1
jax: 0.10.2.dev20260603
libtpu: 0.0.44.dev20260713+nightly
codegen_flags: <defaults>
</compile_context>

<pallas_src>
import functools

import jax
import jax.numpy as jnp
import numpy as np
from jax import lax
from jax.experimental import pallas as pl
from jax.experimental.pallas import tpu as pltpu
from jax.experimental.pallas import tpu_sc as plsc

N_NODES = 10000
E_EDGES = 320000
H_IN = 128
OE_DIM = 256
OC_DIM = 1
N_LAYERS = 3

NC = 2
NS = 16
NW = NC * NS
EW = E_EDGES // NW
BATCH = 128
NB = EW // BATCH
TAIL = EW - NB * BATCH
NBUF = 3
GROUPS = NB // NBUF
NP = 10112
RPT = NP // NS

_ZEROS = np.zeros((RPT, H_IN), np.float32)


def _make_segsum():
    mesh = plsc.VectorSubcoreMesh(
        core_axis_name="c", subcore_axis_name="s", num_cores=NC, num_subcores=NS
    )

    @functools.partial(
        pl.kernel,
        out_type=jax.ShapeDtypeStruct((NC, NP, H_IN), jnp.float32),
        mesh=mesh,
        scratch_types=[
            pltpu.VMEM_SHARED((NP, H_IN), jnp.float32),
            pltpu.VMEM((TAIL,), jnp.int32),
        ]
        + [pltpu.VMEM((BATCH, H_IN), jnp.float32) for _ in range(NBUF)]
        + [pltpu.VMEM((BATCH,), jnp.int32) for _ in range(NBUF)]
        + [pltpu.SemaphoreType.DMA] * (3 * NBUF),
    )
    def segsum(e_hbm, i_hbm, z_hbm, out_hbm, acc, idx_t, *bufs_sems):
        rows = bufs_sems[:NBUF]
        idxb = bufs_sems[NBUF:2 * NBUF]
        gsem = bufs_sems[2 * NBUF:3 * NBUF]
        isem = bufs_sems[3 * NBUF:4 * NBUF]
        ssem = bufs_sems[4 * NBUF:]
        cid = lax.axis_index("c")
        sid = lax.axis_index("s")
        wid = sid * NC + cid
        base = wid * EW

        for j in range(NBUF):
            pltpu.async_copy(e_hbm.at[1, pl.ds(base + j * BATCH, BATCH)],
                             rows[j], gsem[j])
            pltpu.async_copy(i_hbm.at[pl.ds(base + j * BATCH, BATCH)],
                             idxb[j], isem[j])
        pltpu.sync_copy(z_hbm, acc.at[pl.ds(sid * RPT, RPT)])
        plsc.subcore_barrier()

        def body(g, carry):
            for j in range(NBUF):
                b = g * NBUF + j
                pltpu.make_async_copy(
                    i_hbm.at[pl.ds(base, BATCH)], idxb[j], isem[j]).wait()
                pltpu.make_async_copy(
                    e_hbm.at[1, pl.ds(base, BATCH)], rows[j], gsem[j]).wait()
                pltpu.async_copy(rows[j], acc.at[idxb[j]], ssem[j], add=True)
                j1 = (j + 1) % NBUF
                @pl.when((b >= NBUF - 1) & (b + 1 < NB))
                def _():
                    pltpu.make_async_copy(
                        rows[j1], acc.at[idxb[j1]], ssem[j1]).wait()
                    pltpu.async_copy(
                        e_hbm.at[1, pl.ds(base + (b + 1) * BATCH, BATCH)],
                        rows[j1], gsem[j1])
                    pltpu.async_copy(
                        i_hbm.at[pl.ds(base + (b + 1) * BATCH, BATCH)],
                        idxb[j1], isem[j1])
            return carry

        lax.fori_loop(0, GROUPS, body, 0)
        pltpu.make_async_copy(rows[0], acc.at[idxb[0]], ssem[0]).wait()
        pltpu.sync_copy(i_hbm.at[pl.ds(base + NB * BATCH, TAIL)], idx_t)
        pltpu.sync_copy(e_hbm.at[1, pl.ds(base + NB * BATCH, TAIL)],
                        rows[0].at[pl.ds(0, TAIL)])
        pltpu.sync_copy(rows[0].at[pl.ds(0, TAIL)], acc.at[idx_t], add=True)
        for j in range(1, NBUF):
            pltpu.make_async_copy(rows[j], acc.at[idxb[j]], ssem[j]).wait()
        plsc.subcore_barrier()

        pltpu.sync_copy(acc.at[pl.ds(sid * RPT, RPT)],
                        out_hbm.at[cid, pl.ds(sid * RPT, RPT)])

    return segsum


_segsum = _make_segsum()

_ROWS_BLK = 2528


def _mlp_body(parts_ref, wup_ref, bup_ref, wl_ref, bl_ref, wout_ref, out_ref):
    bf = jnp.bfloat16
    v = parts_ref[0] + parts_ref[1]
    v = jnp.dot(v.astype(bf), wup_ref[...].astype(bf),
                preferred_element_type=jnp.float32) + bup_ref[...]
    for l in range(N_LAYERS):
        h = jnp.dot(v.astype(bf), wl_ref[l].astype(bf),
                    preferred_element_type=jnp.float32) + bl_ref[l]
        v = h * jax.nn.sigmoid(h)
    out_ref[...] = jnp.dot(v.astype(bf), wout_ref[...].astype(bf),
                           preferred_element_type=jnp.float32)


def _mlp(parts, W_up, b_up2, Wl, bl3, W_out):
    grid = (pl.cdiv(N_NODES, _ROWS_BLK),)
    return pl.pallas_call(
        _mlp_body,
        grid=grid,
        in_specs=[
            pl.BlockSpec((NC, _ROWS_BLK, H_IN), lambda r: (0, r, 0)),
            pl.BlockSpec((H_IN, OE_DIM), lambda r: (0, 0)),
            pl.BlockSpec((1, OE_DIM), lambda r: (0, 0)),
            pl.BlockSpec((N_LAYERS, OE_DIM, OE_DIM), lambda r: (0, 0, 0)),
            pl.BlockSpec((N_LAYERS, 1, OE_DIM), lambda r: (0, 0, 0)),
            pl.BlockSpec((OE_DIM, OC_DIM), lambda r: (0, 0)),
        ],
        out_specs=pl.BlockSpec((_ROWS_BLK, OC_DIM), lambda r: (r, 0)),
        out_shape=jax.ShapeDtypeStruct((N_NODES, OC_DIM), jnp.float32),
    )(parts, W_up, b_up2, Wl, bl3, W_out)


def kernel(e, i, W_up, b_up, Wl, bl, W_out):
    parts = _segsum(e, i, _ZEROS)
    return _mlp(parts, W_up, b_up.reshape(1, OE_DIM), Wl,
                bl.reshape(N_LAYERS, 1, OE_DIM), W_out)

# --- scband reference (transcript-rebuilt; emitter-appended) ---
"""Pipeline reference for scband-update-v-50448685859055 (READ-ONLY COPY).

The authoritative reference and input builder live on the scoring server;
editing this copy changes nothing except your own understanding.
"""

import jax, jax.numpy as jnp
import numpy as np

N_NODES = 10000
E = 320000
H = 128
OE = 256
OC = 1
L = 3


def setup_inputs(seed: int = 0) -> dict:
    key = jax.random.key(seed)
    ks = jax.random.split(key, 10)
    e = jax.random.normal(ks[0], (2, E, H), dtype=jnp.float32)
    i = jax.random.randint(ks[1], (E,), 0, N_NODES, dtype=jnp.int32)
    # learned parameters (stored as [in, out] for right-multiplication)
    W_up = jax.random.normal(ks[2], (H, OE), dtype=jnp.float32) * (1.0 / np.sqrt(H))
    b_up = jnp.zeros((OE,), dtype=jnp.float32)
    Wl = jax.random.normal(ks[3], (L, OE, OE), dtype=jnp.float32) * (1.0 / np.sqrt(OE))
    bl = jnp.zeros((L, OE), dtype=jnp.float32)
    W_out = jax.random.normal(ks[4], (OE, OC), dtype=jnp.float32) * (1.0 / np.sqrt(OE))
    return {"e": e, "i": i, "W_up": W_up, "b_up": b_up, "Wl": Wl, "bl": bl, "W_out": W_out}


def reference(e, i, W_up, b_up, Wl, bl, W_out):
    # _, e2 = e  (e is a stacked pair; take the second component)
    e2 = e[1]
    # v = scatter(e2, i, dim=0)  -> segment sum over destination nodes
    v = jax.ops.segment_sum(e2, i, num_segments=N_NODES)
    # v = lin_up(v)
    v = v @ W_up + b_up
    # output MLP with activation
    for l in range(L):
        v = jax.nn.silu(v @ Wl[l] + bl[l])
    # final projection (no bias)
    v = v @ W_out
    return v

if __name__ == "__main__":
    import jax
    _d = setup_inputs()
    print(jax.jit(kernel)(*tuple(_d.values())))

</pallas_src>

<mosaic_0001>
#map = affine_map<(d0, d1) -> (0, 0, 0)>
#map1 = affine_map<(d0, d1) -> (0)>
#map2 = affine_map<(d0, d1) -> (0, 0)>
module attributes {stable_mosaic.version = 14 : i64} {
  func.func @segsum(%arg0: i32, %arg1: i32, %arg2: memref<2x320000x128xf32, #tpu.memory_space<hbm>>, %arg3: memref<320000xi32, #tpu.memory_space<hbm>>, %arg4: memref<632x128xf32, #tpu.memory_space<hbm>>, %arg5: memref<2x10112x128xf32, #tpu.memory_space<hbm>>, %arg6: memref<10112x128xf32, #tpu.memory_space<vmem_shared>>, %arg7: memref<16xi32, #tpu.memory_space<vmem>>, %arg8: memref<128x128xf32, #tpu.memory_space<vmem>>, %arg9: memref<128x128xf32, #tpu.memory_space<vmem>>, %arg10: memref<128x128xf32, #tpu.memory_space<vmem>>, %arg11: memref<128xi32, #tpu.memory_space<vmem>>, %arg12: memref<128xi32, #tpu.memory_space<vmem>>, %arg13: memref<128xi32, #tpu.memory_space<vmem>>, %arg14: memref<!tpu.dma_semaphore, #tpu.memory_space<semaphore_mem>>, %arg15: memref<!tpu.dma_semaphore, #tpu.memory_space<semaphore_mem>>, %arg16: memref<!tpu.dma_semaphore, #tpu.memory_space<semaphore_mem>>, %arg17: memref<!tpu.dma_semaphore, #tpu.memory_space<semaphore_mem>>, %arg18: memref<!tpu.dma_semaphore, #tpu.memory_space<semaphore_mem>>, %arg19: memref<!tpu.dma_semaphore, #tpu.memory_space<semaphore_mem>>, %arg20: memref<!tpu.dma_semaphore, #tpu.memory_space<semaphore_mem>>, %arg21: memref<!tpu.dma_semaphore, #tpu.memory_space<semaphore_mem>>, %arg22: memref<!tpu.dma_semaphore, #tpu.memory_space<semaphore_mem>>) attributes {dimension_semantics = [#tpu.dimension_semantics<core_parallel>, #tpu.dimension_semantics<subcore_parallel>], iteration_bounds = array<i64: 2, 16>, scalar_prefetch = 0 : i64, scratch_operands = 17 : i64, tpu.core_type = #tpu.core_type<sc_vector_subcore>, window_params = [{transform_indices = #map}, {transform_indices = #map1}, {transform_indices = #map2}, {transform_indices = #map}]} {
    %mul3A = arith.constant 2 : i32
    %mul3A_0 = arith.muli %arg1, %mul3A : i32
    %add3A = arith.addi %mul3A_0, %arg0 : i32
    %mul3A_1 = arith.constant 10000 : i32
    %mul3A_2 = arith.muli %add3A, %mul3A_1 : i32
    %add3A_3 = arith.constant 0 : i32
    %add3A_4 = arith.addi %mul3A_2, %add3A_3 : i32
    %dma_start3A = arith.constant 1 : i32
    %dma_start3A_5 = arith.constant 0 : i32
    %dma_start3A_6 = tpu.memref_slice %arg2[%dma_start3A, %add3A_4, %dma_start3A_5] : memref<2x320000x128xf32, #tpu.memory_space<hbm>> -> memref<1x128x128xf32, #tpu.memory_space<hbm>>
    %dma_start3A_7 = tpu.memref_squeeze %dma_start3A_6 : memref<1x128x128xf32, #tpu.memory_space<hbm>> -> memref<128x128xf32, #tpu.memory_space<hbm>>
    %dma_start3A_8 = arith.constant 0 : i32
    %dma_start3A_9 = tpu.memref_slice %arg2[%dma_start3A, %add3A_4, %dma_start3A_8] : memref<2x320000x128xf32, #tpu.memory_space<hbm>> -> memref<1x128x128xf32, #tpu.memory_space<hbm>>
    %dma_start3A_10 = tpu.memref_squeeze %dma_start3A_9 : memref<1x128x128xf32, #tpu.memory_space<hbm>> -> memref<128x128xf32, #tpu.memory_space<hbm>>
    tpu.enqueue_dma source(%dma_start3A_10 : memref<128x128xf32, #tpu.memory_space<hbm>>) target(%arg8 : memref<128x128xf32, #tpu.memory_space<vmem>>) target_semaphore(%arg14 : memref<!tpu.dma_semaphore, #tpu.memory_space<semaphore_mem>>)
    %add3A_11 = arith.constant 0 : i32
    %add3A_12 = arith.addi %mul3A_2, %add3A_11 : i32
    %dma_start3A_13 = tpu.memref_slice %arg3[%add3A_12] : memref<320000xi32, #tpu.memory_space<hbm>> -> memref<128xi32, #tpu.memory_space<hbm>>
    %dma_start3A_14 = tpu.memref_slice %arg3[%add3A_12] : memref<320000xi32, #tpu.memory_space<hbm>> -> memref<128xi32, #tpu.memory_space<hbm>>
    tpu.enqueue_dma source(%dma_start3A_14 : memref<128xi32, #tpu.memory_space<hbm>>) target(%arg11 : memref<128xi32, #tpu.memory_space<vmem>>) target_semaphore(%arg17 : memref<!tpu.dma_semaphore, #tpu.memory_space<semaphore_mem>>)
    %add3A_15 = arith.constant 128 : i32
    %add3A_16 = arith.addi %mul3A_2, %add3A_15 : i32
    %dma_start3A_17 = arith.constant 1 : i32
    %dma_start3A_18 = arith.constant 0 : i32
    %dma_start3A_19 = tpu.memref_slice %arg2[%dma_start3A_17, %add3A_16, %dma_start3A_18] : memref<2x320000x128xf32, #tpu.memory_space<hbm>> -> memref<1x128x128xf32, #tpu.memory_space<hbm>>
    %dma_start3A_20 = tpu.memref_squeeze %dma_start3A_19 : memref<1x128x128xf32, #tpu.memory_space<hbm>> -> memref<128x128xf32, #tpu.memory_space<hbm>>
    %dma_start3A_21 = arith.constant 0 : i32
    %dma_start3A_22 = tpu.memref_slice %arg2[%dma_start3A_17, %add3A_16, %dma_start3A_21] : memref<2x320000x128xf32, #tpu.memory_space<hbm>> -> memref<1x128x128xf32, #tpu.memory_space<hbm>>
    %dma_start3A_23 = tpu.memref_squeeze %dma_start3A_22 : memref<1x128x128xf32, #tpu.memory_space<hbm>> -> memref<128x128xf32, #tpu.memory_space<hbm>>
    tpu.enqueue_dma source(%dma_start3A_23 : memref<128x128xf32, #tpu.memory_space<hbm>>) target(%arg9 : memref<128x128xf32, #tpu.memory_space<vmem>>) target_semaphore(%arg15 : memref<!tpu.dma_semaphore, #tpu.memory_space<semaphore_mem>>)
    %add3A_24 = arith.constant 128 : i32
    %add3A_25 = arith.addi %mul3A_2, %add3A_24 : i32
    %dma_start3A_26 = tpu.memref_slice %arg3[%add3A_25] : memref<320000xi32, #tpu.memory_space<hbm>> -> memref<128xi32, #tpu.memory_space<hbm>>
    %dma_start3A_27 = tpu.memref_slice %arg3[%add3A_25] : memref<320000xi32, #tpu.memory_space<hbm>> -> memref<128xi32, #tpu.memory_space<hbm>>
    tpu.enqueue_dma source(%dma_start3A_27 : memref<128xi32, #tpu.memory_space<hbm>>) target(%arg12 : memref<128xi32, #tpu.memory_space<vmem>>) target_semaphore(%arg18 : memref<!tpu.dma_semaphore, #tpu.memory_space<semaphore_mem>>)
    %add3A_28 = arith.constant 256 : i32
    %add3A_29 = arith.addi %mul3A_2, %add3A_28 : i32
    %dma_start3A_30 = arith.constant 1 : i32
    %dma_start3A_31 = arith.constant 0 : i32
    %dma_start3A_32 = tpu.memref_slice %arg2[%dma_start3A_30, %add3A_29, %dma_start3A_31] : memref<2x320000x128xf32, #tpu.memory_space<hbm>> -> memref<1x128x128xf32, #tpu.memory_space<hbm>>
    %dma_start3A_33 = tpu.memref_squeeze %dma_start3A_32 : memref<1x128x128xf32, #tpu.memory_space<hbm>> -> memref<128x128xf32, #tpu.memory_space<hbm>>
    %dma_start3A_34 = arith.constant 0 : i32
    %dma_start3A_35 = tpu.memref_slice %arg2[%dma_start3A_30, %add3A_29, %dma_start3A_34] : memref<2x320000x128xf32, #tpu.memory_space<hbm>> -> memref<1x128x128xf32, #tpu.memory_space<hbm>>
    %dma_start3A_36 = tpu.memref_squeeze %dma_start3A_35 : memref<1x128x128xf32, #tpu.memory_space<hbm>> -> memref<128x128xf32, #tpu.memory_space<hbm>>
    tpu.enqueue_dma source(%dma_start3A_36 : memref<128x128xf32, #tpu.memory_space<hbm>>) target(%arg10 : memref<128x128xf32, #tpu.memory_space<vmem>>) target_semaphore(%arg16 : memref<!tpu.dma_semaphore, #tpu.memory_space<semaphore_mem>>)
    %add3A_37 = arith.constant 256 : i32
    %add3A_38 = arith.addi %mul3A_2, %add3A_37 : i32
    %dma_start3A_39 = tpu.memref_slice %arg3[%add3A_38] : memref<320000xi32, #tpu.memory_space<hbm>> -> memref<128xi32, #tpu.memory_space<hbm>>
    %dma_start3A_40 = tpu.memref_slice %arg3[%add3A_38] : memref<320000xi32, #tpu.memory_space<hbm>> -> memref<128xi32, #tpu.memory_space<hbm>>
    tpu.enqueue_dma source(%dma_start3A_40 : memref<128xi32, #tpu.memory_space<hbm>>) target(%arg13 : memref<128xi32, #tpu.memory_space<vmem>>) target_semaphore(%arg19 : memref<!tpu.dma_semaphore, #tpu.memory_space<semaphore_mem>>)
    %mul3A_41 = arith.constant 632 : i32
    %mul3A_42 = arith.muli %arg1, %mul3A_41 : i32
    "tpu.region"() ({
      %run_scoped3A_65 = tpu.sem_alloc : memref<!tpu.dma_semaphore, #tpu.memory_space<semaphore_mem>>
      %dma_start3A_66 = arith.constant 0 : i32
      %dma_start3A_67 = tpu.memref_slice %arg6[%mul3A_42, %dma_start3A_66] : memref<10112x128xf32, #tpu.memory_space<vmem_shared>> -> memref<632x128xf32, #tpu.memory_space<vmem_shared>>
      tpu.enqueue_dma source(%arg4 : memref<632x128xf32, #tpu.memory_space<hbm>>) target(%dma_start3A_67 : memref<632x128xf32, #tpu.memory_space<vmem_shared>>) target_semaphore(%run_scoped3A_65 : memref<!tpu.dma_semaphore, #tpu.memory_space<semaphore_mem>>)
      %dma_wait3A_68 = arith.constant 0 : i32
      %dma_wait3A_69 = tpu.memref_slice %arg6[%mul3A_42, %dma_wait3A_68] : memref<10112x128xf32, #tpu.memory_space<vmem_shared>> -> memref<632x128xf32, #tpu.memory_space<vmem_shared>>
      tpu.wait_dma2 semaphore(%run_scoped3A_65 : memref<!tpu.dma_semaphore, #tpu.memory_space<semaphore_mem>>) src(%arg4 : memref<632x128xf32, #tpu.memory_space<hbm>>) dst(%dma_wait3A_69 : memref<632x128xf32, #tpu.memory_space<vmem_shared>>)
      tpu.yield
    }) : () -> ()
    %barrier3A = arith.constant 0 : index
    tpu.barrier barrier_id(%barrier3A)
    %scan3A = arith.constant 0 : i32
    %scan3A_43 = arith.constant 0 : i32
    %scan3A_44 = arith.constant 26 : i32
    %scan3A_45 = arith.addi %scan3A_43, %scan3A_44 : i32
    %scan3A_46 = arith.constant 1 : i32
    scf.for %scan3A_65 = %scan3A_43 to %scan3A_45 step %scan3A_46  : i32 {
      %mul3A_66 = arith.constant 3 : i32
      %mul3A_67 = arith.muli %scan3A_65, %mul3A_66 : i32
      %add3A_68 = arith.constant 0 : i32
      %add3A_69 = arith.addi %mul3A_67, %add3A_68 : i32
      %dma_wait3A_70 = tpu.memref_slice %arg3[%mul3A_2] : memref<320000xi32, #tpu.memory_space<hbm>> -> memref<128xi32, #tpu.memory_space<hbm>>
      %dma_wait3A_71 = tpu.memref_slice %arg3[%mul3A_2] : memref<320000xi32, #tpu.memory_space<hbm>> -> memref<128xi32, #tpu.memory_space<hbm>>
      tpu.wait_dma2 semaphore(%arg17 : memref<!tpu.dma_semaphore, #tpu.memory_space<semaphore_mem>>) src(%dma_wait3A_71 : memref<128xi32, #tpu.memory_space<hbm>>) dst(%arg11 : memref<128xi32, #tpu.memory_space<vmem>>)
      %dma_wait3A_72 = arith.constant 1 : i32
      %dma_wait3A_73 = arith.constant 0 : i32
      %dma_wait3A_74 = tpu.memref_slice %arg2[%dma_wait3A_72, %mul3A_2, %dma_wait3A_73] : memref<2x320000x128xf32, #tpu.memory_space<hbm>> -> memref<1x128x128xf32, #tpu.memory_space<hbm>>
      %dma_wait3A_75 = tpu.memref_squeeze %dma_wait3A_74 : memref<1x128x128xf32, #tpu.memory_space<hbm>> -> memref<128x128xf32, #tpu.memory_space<hbm>>
      %dma_wait3A_76 = arith.constant 0 : i32
      %dma_wait3A_77 = tpu.memref_slice %arg2[%dma_wait3A_72, %mul3A_2, %dma_wait3A_76] : memref<2x320000x128xf32, #tpu.memory_space<hbm>> -> memref<1x128x128xf32, #tpu.memory_space<hbm>>
      %dma_wait3A_78 = tpu.memref_squeeze %dma_wait3A_77 : memref<1x128x128xf32, #tpu.memory_space<hbm>> -> memref<128x128xf32, #tpu.memory_space<hbm>>
      tpu.wait_dma2 semaphore(%arg14 : memref<!tpu.dma_semaphore, #tpu.memory_space<semaphore_mem>>) src(%dma_wait3A_78 : memref<128x128xf32, #tpu.memory_space<hbm>>) dst(%arg8 : memref<128x128xf32, #tpu.memory_space<vmem>>)
      %dma_start3A_79 = arith.constant 0 : i32
      %dma_start3A_80 = arith.constant 0 : i32
      %dma_start3A_81 = tpu.memref_slice %arg6[%dma_start3A_79, %dma_start3A_80] : memref<10112x128xf32, #tpu.memory_space<vmem_shared>> -> memref<10112x128xf32, #tpu.memory_space<vmem_shared>>
      tpu.enqueue_indirect_dma source(%arg8 : memref<128x128xf32, #tpu.memory_space<vmem>>) target(%dma_start3A_81 : memref<10112x128xf32, #tpu.memory_space<vmem_shared>>) offsets(%arg11 : memref<128xi32, #tpu.memory_space<vmem>>) semaphore(%arg20 : memref<!tpu.dma_semaphore, #tpu.memory_space<semaphore_mem>>) {add = true}
      %ge3A = arith.constant 2 : i32
      %ge3A_82 = arith.cmpi sge, %add3A_69, %ge3A : i32
      %add3A_83 = arith.constant 1 : i32
      %add3A_84 = arith.addi %add3A_69, %add3A_83 : i32
      %lt3A = arith.constant 78 : i32
      %lt3A_85 = arith.cmpi slt, %add3A_84, %lt3A : i32
      %and3A = arith.andi %ge3A_82, %lt3A_85 : i1
      %convert_element_type3A = arith.extui %and3A : i1 to i32
      %cond3A = arith.constant 0 : i32
      %cond3A_86 = arith.cmpi ne, %convert_element_type3A, %cond3A : i32
      scf.if %cond3A_86 {
        %dma_wait3A_139 = arith.constant 0 : i32
        %dma_wait3A_140 = arith.constant 0 : i32
        %dma_wait3A_141 = tpu.memref_slice %arg6[%dma_wait3A_139, %dma_wait3A_140] : memref<10112x128xf32, #tpu.memory_space<vmem_shared>> -> memref<10112x128xf32, #tpu.memory_space<vmem_shared>>
        tpu.wait_indirect_dma semaphore(%arg21 : memref<!tpu.dma_semaphore, #tpu.memory_space<semaphore_mem>>) src(%arg9 : memref<128x128xf32, #tpu.memory_space<vmem>>) dst(%dma_wait3A_141 : memref<10112x128xf32, #tpu.memory_space<vmem_shared>>)
        %add3A_142 = arith.constant 1 : i32
        %add3A_143 = arith.addi %add3A_69, %add3A_142 : i32
        %mul3A_144 = arith.constant 128 : i32
        %mul3A_145 = arith.muli %add3A_143, %mul3A_144 : i32
        %add3A_146 = arith.addi %mul3A_2, %mul3A_145 : i32
        %dma_start3A_147 = arith.constant 1 : i32
        %dma_start3A_148 = arith.constant 0 : i32
        %dma_start3A_149 = tpu.memref_slice %arg2[%dma_start3A_147, %add3A_146, %dma_start3A_148] : memref<2x320000x128xf32, #tpu.memory_space<hbm>> -> memref<1x128x128xf32, #tpu.memory_space<hbm>>
        %dma_start3A_150 = tpu.memref_squeeze %dma_start3A_149 : memref<1x128x128xf32, #tpu.memory_space<hbm>> -> memref<128x128xf32, #tpu.memory_space<hbm>>
        %dma_start3A_151 = arith.constant 0 : i32
        %dma_start3A_152 = tpu.memref_slice %arg2[%dma_start3A_147, %add3A_146, %dma_start3A_151] : memref<2x320000x128xf32, #tpu.memory_space<hbm>> -> memref<1x128x128xf32, #tpu.memory_space<hbm>>
        %dma_start3A_153 = tpu.memref_squeeze %dma_start3A_152 : memref<1x128x128xf32, #tpu.memory_space<hbm>> -> memref<128x128xf32, #tpu.memory_space<hbm>>
        tpu.enqueue_dma source(%dma_start3A_153 : memref<128x128xf32, #tpu.memory_space<hbm>>) target(%arg9 : memref<128x128xf32, #tpu.memory_space<vmem>>) target_semaphore(%arg15 : memref<!tpu.dma_semaphore, #tpu.memory_space<semaphore_mem>>)
        %add3A_154 = arith.constant 1 : i32
        %add3A_155 = arith.addi %add3A_69, %add3A_154 : i32
        %mul3A_156 = arith.constant 128 : i32
        %mul3A_157 = arith.muli %add3A_155, %mul3A_156 : i32
        %add3A_158 = arith.addi %mul3A_2, %mul3A_157 : i32
        %dma_start3A_159 = tpu.memref_slice %arg3[%add3A_158] : memref<320000xi32, #tpu.memory_space<hbm>> -> memref<128xi32, #tpu.memory_space<hbm>>
        %dma_start3A_160 = tpu.memref_slice %arg3[%add3A_158] : memref<320000xi32, #tpu.memory_space<hbm>> -> memref<128xi32, #tpu.memory_space<hbm>>
        tpu.enqueue_dma source(%dma_start3A_160 : memref<128xi32, #tpu.memory_space<hbm>>) target(%arg12 : memref<128xi32, #tpu.memory_space<vmem>>) target_semaphore(%arg18 : memref<!tpu.dma_semaphore, #tpu.memory_space<semaphore_mem>>)
      } else {
      }
      %mul3A_87 = arith.constant 3 : i32
      %mul3A_88 = arith.muli %scan3A_65, %mul3A_87 : i32
      %add3A_89 = arith.constant 1 : i32
      %add3A_90 = arith.addi %mul3A_88, %add3A_89 : i32
      %dma_wait3A_91 = tpu.memref_slice %arg3[%mul3A_2] : memref<320000xi32, #tpu.memory_space<hbm>> -> memref<128xi32, #tpu.memory_space<hbm>>
      %dma_wait3A_92 = tpu.memref_slice %arg3[%mul3A_2] : memref<320000xi32, #tpu.memory_space<hbm>> -> memref<128xi32, #tpu.memory_space<hbm>>
      tpu.wait_dma2 semaphore(%arg18 : memref<!tpu.dma_semaphore, #tpu.memory_space<semaphore_mem>>) src(%dma_wait3A_92 : memref<128xi32, #tpu.memory_space<hbm>>) dst(%arg12 : memref<128xi32, #tpu.memory_space<vmem>>)
      %dma_wait3A_93 = arith.constant 1 : i32
      %dma_wait3A_94 = arith.constant 0 : i32
      %dma_wait3A_95 = tpu.memref_slice %arg2[%dma_wait3A_93, %mul3A_2, %dma_wait3A_94] : memref<2x320000x128xf32, #tpu.memory_space<hbm>> -> memref<1x128x128xf32, #tpu.memory_space<hbm>>
      %dma_wait3A_96 = tpu.memref_squeeze %dma_wait3A_95 : memref<1x128x128xf32, #tpu.memory_space<hbm>> -> memref<128x128xf32, #tpu.memory_space<hbm>>
      %dma_wait3A_97 = arith.constant 0 : i32
      %dma_wait3A_98 = tpu.memref_slice %arg2[%dma_wait3A_93, %mul3A_2, %dma_wait3A_97] : memref<2x320000x128xf32, #tpu.memory_space<hbm>> -> memref<1x128x128xf32, #tpu.memory_space<hbm>>
      %dma_wait3A_99 = tpu.memref_squeeze %dma_wait3A_98 : memref<1x128x128xf32, #tpu.memory_space<hbm>> -> memref<128x128xf32, #tpu.memory_space<hbm>>
      tpu.wait_dma2 semaphore(%arg15 : memref<!tpu.dma_semaphore, #tpu.memory_space<semaphore_mem>>) src(%dma_wait3A_99 : memref<128x128xf32, #tpu.memory_space<hbm>>) dst(%arg9 : memref<128x128xf32, #tpu.memory_space<vmem>>)
      %dma_start3A_100 = arith.constant 0 : i32
      %dma_start3A_101 = arith.constant 0 : i32
      %dma_start3A_102 = tpu.memref_slice %arg6[%dma_start3A_100, %dma_start3A_101] : memref<10112x128xf32, #tpu.memory_space<vmem_shared>> -> memref<10112x128xf32, #tpu.memory_space<vmem_shared>>
      tpu.enqueue_indirect_dma source(%arg9 : memref<128x128xf32, #tpu.memory_space<vmem>>) target(%dma_start3A_102 : memref<10112x128xf32, #tpu.memory_space<vmem_shared>>) offsets(%arg12 : memref<128xi32, #tpu.memory_space<vmem>>) semaphore(%arg21 : memref<!tpu.dma_semaphore, #tpu.memory_space<semaphore_mem>>) {add = true}
      %ge3A_103 = arith.constant 2 : i32
      %ge3A_104 = arith.cmpi sge, %add3A_90, %ge3A_103 : i32
      %add3A_105 = arith.constant 1 : i32
      %add3A_106 = arith.addi %add3A_90, %add3A_105 : i32
      %lt3A_107 = arith.constant 78 : i32
      %lt3A_108 = arith.cmpi slt, %add3A_106, %lt3A_107 : i32
      %and3A_109 = arith.andi %ge3A_104, %lt3A_108 : i1
      %convert_element_type3A_110 = arith.extui %and3A_109 : i1 to i32
      %cond3A_111 = arith.constant 0 : i32
      %cond3A_112 = arith.cmpi ne, %convert_element_type3A_110, %cond3A_111 : i32
      scf.if %cond3A_112 {
        %dma_wait3A_139 = arith.constant 0 : i32
        %dma_wait3A_140 = arith.constant 0 : i32
        %dma_wait3A_141 = tpu.memref_slice %arg6[%dma_wait3A_139, %dma_wait3A_140] : memref<10112x128xf32, #tpu.memory_space<vmem_shared>> -> memref<10112x128xf32, #tpu.memory_space<vmem_shared>>
        tpu.wait_indirect_dma semaphore(%arg22 : memref<!tpu.dma_semaphore, #tpu.memory_space<semaphore_mem>>) src(%arg10 : memref<128x128xf32, #tpu.memory_space<vmem>>) dst(%dma_wait3A_141 : memref<10112x128xf32, #tpu.memory_space<vmem_shared>>)
        %add3A_142 = arith.constant 1 : i32
        %add3A_143 = arith.addi %add3A_90, %add3A_142 : i32
        %mul3A_144 = arith.constant 128 : i32
        %mul3A_145 = arith.muli %add3A_143, %mul3A_144 : i32
        %add3A_146 = arith.addi %mul3A_2, %mul3A_145 : i32
        %dma_start3A_147 = arith.constant 1 : i32
        %dma_start3A_148 = arith.constant 0 : i32
        %dma_start3A_149 = tpu.memref_slice %arg2[%dma_start3A_147, %add3A_146, %dma_start3A_148] : memref<2x320000x128xf32, #tpu.memory_space<hbm>> -> memref<1x128x128xf32, #tpu.memory_space<hbm>>
        %dma_start3A_150 = tpu.memref_squeeze %dma_start3A_149 : memref<1x128x128xf32, #tpu.memory_space<hbm>> -> memref<128x128xf32, #tpu.memory_space<hbm>>
        %dma_start3A_151 = arith.constant 0 : i32
        %dma_start3A_152 = tpu.memref_slice %arg2[%dma_start3A_147, %add3A_146, %dma_start3A_151] : memref<2x320000x128xf32, #tpu.memory_space<hbm>> -> memref<1x128x128xf32, #tpu.memory_space<hbm>>
        %dma_start3A_153 = tpu.memref_squeeze %dma_start3A_152 : memref<1x128x128xf32, #tpu.memory_space<hbm>> -> memref<128x128xf32, #tpu.memory_space<hbm>>
        tpu.enqueue_dma source(%dma_start3A_153 : memref<128x128xf32, #tpu.memory_space<hbm>>) target(%arg10 : memref<128x128xf32, #tpu.memory_space<vmem>>) target_semaphore(%arg16 : memref<!tpu.dma_semaphore, #tpu.memory_space<semaphore_mem>>)
        %add3A_154 = arith.constant 1 : i32
        %add3A_155 = arith.addi %add3A_90, %add3A_154 : i32
        %mul3A_156 = arith.constant 128 : i32
        %mul3A_157 = arith.muli %add3A_155, %mul3A_156 : i32
        %add3A_158 = arith.addi %mul3A_2, %mul3A_157 : i32
        %dma_start3A_159 = tpu.memref_slice %arg3[%add3A_158] : memref<320000xi32, #tpu.memory_space<hbm>> -> memref<128xi32, #tpu.memory_space<hbm>>
        %dma_start3A_160 = tpu.memref_slice %arg3[%add3A_158] : memref<320000xi32, #tpu.memory_space<hbm>> -> memref<128xi32, #tpu.memory_space<hbm>>
        tpu.enqueue_dma source(%dma_start3A_160 : memref<128xi32, #tpu.memory_space<hbm>>) target(%arg13 : memref<128xi32, #tpu.memory_space<vmem>>) target_semaphore(%arg19 : memref<!tpu.dma_semaphore, #tpu.memory_space<semaphore_mem>>)
      } else {
      }
      %mul3A_113 = arith.constant 3 : i32
      %mul3A_114 = arith.muli %scan3A_65, %mul3A_113 : i32
      %add3A_115 = arith.constant 2 : i32
      %add3A_116 = arith.addi %mul3A_114, %add3A_115 : i32
      %dma_wait3A_117 = tpu.memref_slice %arg3[%mul3A_2] : memref<320000xi32, #tpu.memory_space<hbm>> -> memref<128xi32, #tpu.memory_space<hbm>>
      %dma_wait3A_118 = tpu.memref_slice %arg3[%mul3A_2] : memref<320000xi32, #tpu.memory_space<hbm>> -> memref<128xi32, #tpu.memory_space<hbm>>
      tpu.wait_dma2 semaphore(%arg19 : memref<!tpu.dma_semaphore, #tpu.memory_space<semaphore_mem>>) src(%dma_wait3A_118 : memref<128xi32, #tpu.memory_space<hbm>>) dst(%arg13 : memref<128xi32, #tpu.memory_space<vmem>>)
      %dma_wait3A_119 = arith.constant 1 : i32
      %dma_wait3A_120 = arith.constant 0 : i32
      %dma_wait3A_121 = tpu.memref_slice %arg2[%dma_wait3A_119, %mul3A_2, %dma_wait3A_120] : memref<2x320000x128xf32, #tpu.memory_space<hbm>> -> memref<1x128x128xf32, #tpu.memory_space<hbm>>
      %dma_wait3A_122 = tpu.memref_squeeze %dma_wait3A_121 : memref<1x128x128xf32, #tpu.memory_space<hbm>> -> memref<128x128xf32, #tpu.memory_space<hbm>>
      %dma_wait3A_123 = arith.constant 0 : i32
      %dma_wait3A_124 = tpu.memref_slice %arg2[%dma_wait3A_119, %mul3A_2, %dma_wait3A_123] : memref<2x320000x128xf32, #tpu.memory_space<hbm>> -> memref<1x128x128xf32, #tpu.memory_space<hbm>>
      %dma_wait3A_125 = tpu.memref_squeeze %dma_wait3A_124 : memref<1x128x128xf32, #tpu.memory_space<hbm>> -> memref<128x128xf32, #tpu.memory_space<hbm>>
      tpu.wait_dma2 semaphore(%arg16 : memref<!tpu.dma_semaphore, #tpu.memory_space<semaphore_mem>>) src(%dma_wait3A_125 : memref<128x128xf32, #tpu.memory_space<hbm>>) dst(%arg10 : memref<128x128xf32, #tpu.memory_space<vmem>>)
      %dma_start3A_126 = arith.constant 0 : i32
      %dma_start3A_127 = arith.constant 0 : i32
      %dma_start3A_128 = tpu.memref_slice %arg6[%dma_start3A_126, %dma_start3A_127] : memref<10112x128xf32, #tpu.memory_space<vmem_shared>> -> memref<10112x128xf32, #tpu.memory_space<vmem_shared>>
      tpu.enqueue_indirect_dma source(%arg10 : memref<128x128xf32, #tpu.memory_space<vmem>>) target(%dma_start3A_128 : memref<10112x128xf32, #tpu.memory_space<vmem_shared>>) offsets(%arg13 : memref<128xi32, #tpu.memory_space<vmem>>) semaphore(%arg22 : memref<!tpu.dma_semaphore, #tpu.memory_space<semaphore_mem>>) {add = true}
      %ge3A_129 = arith.constant 2 : i32
      %ge3A_130 = arith.cmpi sge, %add3A_116, %ge3A_129 : i32
      %add3A_131 = arith.constant 1 : i32
      %add3A_132 = arith.addi %add3A_116, %add3A_131 : i32
      %lt3A_133 = arith.constant 78 : i32
      %lt3A_134 = arith.cmpi slt, %add3A_132, %lt3A_133 : i32
      %and3A_135 = arith.andi %ge3A_130, %lt3A_134 : i1
      %convert_element_type3A_136 = arith.extui %and3A_135 : i1 to i32
      %cond3A_137 = arith.constant 0 : i32
      %cond3A_138 = arith.cmpi ne, %convert_element_type3A_136, %cond3A_137 : i32
      scf.if %cond3A_138 {
        %dma_wait3A_139 = arith.constant 0 : i32
        %dma_wait3A_140 = arith.constant 0 : i32
        %dma_wait3A_141 = tpu.memref_slice %arg6[%dma_wait3A_139, %dma_wait3A_140] : memref<10112x128xf32, #tpu.memory_space<vmem_shared>> -> memref<10112x128xf32, #tpu.memory_space<vmem_shared>>
        tpu.wait_indirect_dma semaphore(%arg20 : memref<!tpu.dma_semaphore, #tpu.memory_space<semaphore_mem>>) src(%arg8 : memref<128x128xf32, #tpu.memory_space<vmem>>) dst(%dma_wait3A_141 : memref<10112x128xf32, #tpu.memory_space<vmem_shared>>)
        %add3A_142 = arith.constant 1 : i32
        %add3A_143 = arith.addi %add3A_116, %add3A_142 : i32
        %mul3A_144 = arith.constant 128 : i32
        %mul3A_145 = arith.muli %add3A_143, %mul3A_144 : i32
        %add3A_146 = arith.addi %mul3A_2, %mul3A_145 : i32
        %dma_start3A_147 = arith.constant 1 : i32
        %dma_start3A_148 = arith.constant 0 : i32
        %dma_start3A_149 = tpu.memref_slice %arg2[%dma_start3A_147, %add3A_146, %dma_start3A_148] : memref<2x320000x128xf32, #tpu.memory_space<hbm>> -> memref<1x128x128xf32, #tpu.memory_space<hbm>>
        %dma_start3A_150 = tpu.memref_squeeze %dma_start3A_149 : memref<1x128x128xf32, #tpu.memory_space<hbm>> -> memref<128x128xf32, #tpu.memory_space<hbm>>
        %dma_start3A_151 = arith.constant 0 : i32
        %dma_start3A_152 = tpu.memref_slice %arg2[%dma_start3A_147, %add3A_146, %dma_start3A_151] : memref<2x320000x128xf32, #tpu.memory_space<hbm>> -> memref<1x128x128xf32, #tpu.memory_space<hbm>>
        %dma_start3A_153 = tpu.memref_squeeze %dma_start3A_152 : memref<1x128x128xf32, #tpu.memory_space<hbm>> -> memref<128x128xf32, #tpu.memory_space<hbm>>
        tpu.enqueue_dma source(%dma_start3A_153 : memref<128x128xf32, #tpu.memory_space<hbm>>) target(%arg8 : memref<128x128xf32, #tpu.memory_space<vmem>>) target_semaphore(%arg14 : memref<!tpu.dma_semaphore, #tpu.memory_space<semaphore_mem>>)
        %add3A_154 = arith.constant 1 : i32
        %add3A_155 = arith.addi %add3A_116, %add3A_154 : i32
        %mul3A_156 = arith.constant 128 : i32
        %mul3A_157 = arith.muli %add3A_155, %mul3A_156 : i32
        %add3A_158 = arith.addi %mul3A_2, %mul3A_157 : i32
        %dma_start3A_159 = tpu.memref_slice %arg3[%add3A_158] : memref<320000xi32, #tpu.memory_space<hbm>> -> memref<128xi32, #tpu.memory_space<hbm>>
        %dma_start3A_160 = tpu.memref_slice %arg3[%add3A_158] : memref<320000xi32, #tpu.memory_space<hbm>> -> memref<128xi32, #tpu.memory_space<hbm>>
        tpu.enqueue_dma source(%dma_start3A_160 : memref<128xi32, #tpu.memory_space<hbm>>) target(%arg11 : memref<128xi32, #tpu.memory_space<vmem>>) target_semaphore(%arg17 : memref<!tpu.dma_semaphore, #tpu.memory_space<semaphore_mem>>)
      } else {
      }
    }
    %scan3A_47 = arith.constant 26 : i32
    %dma_wait3A = arith.constant 0 : i32
    %dma_wait3A_48 = arith.constant 0 : i32
    %dma_wait3A_49 = tpu.memref_slice %arg6[%dma_wait3A, %dma_wait3A_48] : memref<10112x128xf32, #tpu.memory_space<vmem_shared>> -> memref<10112x128xf32, #tpu.memory_space<vmem_shared>>
    tpu.wait_indirect_dma semaphore(%arg20 : memref<!tpu.dma_semaphore, #tpu.memory_space<semaphore_mem>>) src(%arg8 : memref<128x128xf32, #tpu.memory_space<vmem>>) dst(%dma_wait3A_49 : memref<10112x128xf32, #tpu.memory_space<vmem_shared>>)
    %add3A_50 = arith.constant 9984 : i32
    %add3A_51 = arith.addi %mul3A_2, %add3A_50 : i32
    "tpu.region"() ({
      %run_scoped3A_65 = tpu.sem_alloc : memref<!tpu.dma_semaphore, #tpu.memory_space<semaphore_mem>>
      %dma_start3A_66 = tpu.memref_slice %arg3[%add3A_51] : memref<320000xi32, #tpu.memory_space<hbm>> -> memref<16xi32, #tpu.memory_space<hbm>>
      %dma_start3A_67 = tpu.memref_slice %arg3[%add3A_51] : memref<320000xi32, #tpu.memory_space<hbm>> -> memref<16xi32, #tpu.memory_space<hbm>>
      tpu.enqueue_dma source(%dma_start3A_67 : memref<16xi32, #tpu.memory_space<hbm>>) target(%arg7 : memref<16xi32, #tpu.memory_space<vmem>>) target_semaphore(%run_scoped3A_65 : memref<!tpu.dma_semaphore, #tpu.memory_space<semaphore_mem>>)
      %dma_wait3A_68 = tpu.memref_slice %arg3[%add3A_51] : memref<320000xi32, #tpu.memory_space<hbm>> -> memref<16xi32, #tpu.memory_space<hbm>>
      %dma_wait3A_69 = tpu.memref_slice %arg3[%add3A_51] : memref<320000xi32, #tpu.memory_space<hbm>> -> memref<16xi32, #tpu.memory_space<hbm>>
      tpu.wait_dma2 semaphore(%run_scoped3A_65 : memref<!tpu.dma_semaphore, #tpu.memory_space<semaphore_mem>>) src(%dma_wait3A_69 : memref<16xi32, #tpu.memory_space<hbm>>) dst(%arg7 : memref<16xi32, #tpu.memory_space<vmem>>)
      tpu.yield
    }) : () -> ()
    %add3A_52 = arith.constant 9984 : i32
    %add3A_53 = arith.addi %mul3A_2, %add3A_52 : i32
    %run_scoped3A = arith.constant 1 : i32
    "tpu.region"() ({
      %run_scoped3A_65 = tpu.sem_alloc : memref<!tpu.dma_semaphore, #tpu.memory_space<semaphore_mem>>
      %dma_start3A_66 = arith.constant 0 : i32
      %dma_start3A_67 = arith.constant 0 : i32
      %dma_start3A_68 = tpu.memref_slice %arg8[%dma_start3A_66, %dma_start3A_67] : memref<128x128xf32, #tpu.memory_space<vmem>> -> memref<16x128xf32, #tpu.memory_space<vmem>>
      %dma_start3A_69 = arith.constant 0 : i32
      %dma_start3A_70 = tpu.memref_slice %arg2[%run_scoped3A, %add3A_53, %dma_start3A_69] : memref<2x320000x128xf32, #tpu.memory_space<hbm>> -> memref<1x16x128xf32, #tpu.memory_space<hbm>>
      %dma_start3A_71 = tpu.memref_squeeze %dma_start3A_70 : memref<1x16x128xf32, #tpu.memory_space<hbm>> -> memref<16x128xf32, #tpu.memory_space<hbm>>
      %dma_start3A_72 = arith.constant 0 : i32
      %dma_start3A_73 = arith.constant 0 : i32
      %dma_start3A_74 = tpu.memref_slice %arg8[%dma_start3A_72, %dma_start3A_73] : memref<128x128xf32, #tpu.memory_space<vmem>> -> memref<16x128xf32, #tpu.memory_space<vmem>>
      %dma_start3A_75 = arith.constant 0 : i32
      %dma_start3A_76 = tpu.memref_slice %arg2[%run_scoped3A, %add3A_53, %dma_start3A_75] : memref<2x320000x128xf32, #tpu.memory_space<hbm>> -> memref<1x16x128xf32, #tpu.memory_space<hbm>>
      %dma_start3A_77 = tpu.memref_squeeze %dma_start3A_76 : memref<1x16x128xf32, #tpu.memory_space<hbm>> -> memref<16x128xf32, #tpu.memory_space<hbm>>
      tpu.enqueue_dma source(%dma_start3A_77 : memref<16x128xf32, #tpu.memory_space<hbm>>) target(%dma_start3A_74 : memref<16x128xf32, #tpu.memory_space<vmem>>) target_semaphore(%run_scoped3A_65 : memref<!tpu.dma_semaphore, #tpu.memory_space<semaphore_mem>>)
      %dma_wait3A_78 = arith.constant 0 : i32
      %dma_wait3A_79 = arith.constant 0 : i32
      %dma_wait3A_80 = tpu.memref_slice %arg8[%dma_wait3A_78, %dma_wait3A_79] : memref<128x128xf32, #tpu.memory_space<vmem>> -> memref<16x128xf32, #tpu.memory_space<vmem>>
      %dma_wait3A_81 = arith.constant 0 : i32
      %dma_wait3A_82 = tpu.memref_slice %arg2[%run_scoped3A, %add3A_53, %dma_wait3A_81] : memref<2x320000x128xf32, #tpu.memory_space<hbm>> -> memref<1x16x128xf32, #tpu.memory_space<hbm>>
      %dma_wait3A_83 = tpu.memref_squeeze %dma_wait3A_82 : memref<1x16x128xf32, #tpu.memory_space<hbm>> -> memref<16x128xf32, #tpu.memory_space<hbm>>
      %dma_wait3A_84 = arith.constant 0 : i32
      %dma_wait3A_85 = arith.constant 0 : i32
      %dma_wait3A_86 = tpu.memref_slice %arg8[%dma_wait3A_84, %dma_wait3A_85] : memref<128x128xf32, #tpu.memory_space<vmem>> -> memref<16x128xf32, #tpu.memory_space<vmem>>
      %dma_wait3A_87 = arith.constant 0 : i32
      %dma_wait3A_88 = tpu.memref_slice %arg2[%run_scoped3A, %add3A_53, %dma_wait3A_87] : memref<2x320000x128xf32, #tpu.memory_space<hbm>> -> memref<1x16x128xf32, #tpu.memory_space<hbm>>
      %dma_wait3A_89 = tpu.memref_squeeze %dma_wait3A_88 : memref<1x16x128xf32, #tpu.memory_space<hbm>> -> memref<16x128xf32, #tpu.memory_space<hbm>>
      tpu.wait_dma2 semaphore(%run_scoped3A_65 : memref<!tpu.dma_semaphore, #tpu.memory_space<semaphore_mem>>) src(%dma_wait3A_89 : memref<16x128xf32, #tpu.memory_space<hbm>>) dst(%dma_wait3A_86 : memref<16x128xf32, #tpu.memory_space<vmem>>)
      tpu.yield
    }) : () -> ()
    "tpu.region"() ({
      %run_scoped3A_65 = tpu.sem_alloc : memref<!tpu.dma_semaphore, #tpu.memory_space<semaphore_mem>>
      %dma_start3A_66 = arith.constant 0 : i32
      %dma_start3A_67 = arith.constant 0 : i32
      %dma_start3A_68 = tpu.memref_slice %arg8[%dma_start3A_66, %dma_start3A_67] : memref<128x128xf32, #tpu.memory_space<vmem>> -> memref<16x128xf32, #tpu.memory_space<vmem>>
      %dma_start3A_69 = arith.constant 0 : i32
      %dma_start3A_70 = arith.constant 0 : i32
      %dma_start3A_71 = tpu.memref_slice %arg6[%dma_start3A_69, %dma_start3A_70] : memref<10112x128xf32, #tpu.memory_space<vmem_shared>> -> memref<10112x128xf32, #tpu.memory_space<vmem_shared>>
      tpu.enqueue_indirect_dma source(%dma_start3A_68 : memref<16x128xf32, #tpu.memory_space<vmem>>) target(%dma_start3A_71 : memref<10112x128xf32, #tpu.memory_space<vmem_shared>>) offsets(%arg7 : memref<16xi32, #tpu.memory_space<vmem>>) semaphore(%run_scoped3A_65 : memref<!tpu.dma_semaphore, #tpu.memory_space<semaphore_mem>>) {add = true}
      %dma_wait3A_72 = arith.constant 0 : i32
      %dma_wait3A_73 = arith.constant 0 : i32
      %dma_wait3A_74 = tpu.memref_slice %arg8[%dma_wait3A_72, %dma_wait3A_73] : memref<128x128xf32, #tpu.memory_space<vmem>> -> memref<16x128xf32, #tpu.memory_space<vmem>>
      %dma_wait3A_75 = arith.constant 0 : i32
      %dma_wait3A_76 = arith.constant 0 : i32
      %dma_wait3A_77 = tpu.memref_slice %arg6[%dma_wait3A_75, %dma_wait3A_76] : memref<10112x128xf32, #tpu.memory_space<vmem_shared>> -> memref<10112x128xf32, #tpu.memory_space<vmem_shared>>
      tpu.wait_indirect_dma semaphore(%run_scoped3A_65 : memref<!tpu.dma_semaphore, #tpu.memory_space<semaphore_mem>>) src(%dma_wait3A_74 : memref<16x128xf32, #tpu.memory_space<vmem>>) dst(%dma_wait3A_77 : memref<10112x128xf32, #tpu.memory_space<vmem_shared>>)
      tpu.yield
    }) : () -> ()
    %dma_wait3A_54 = arith.constant 0 : i32
    %dma_wait3A_55 = arith.constant 0 : i32
    %dma_wait3A_56 = tpu.memref_slice %arg6[%dma_wait3A_54, %dma_wait3A_55] : memref<10112x128xf32, #tpu.memory_space<vmem_shared>> -> memref<10112x128xf32, #tpu.memory_space<vmem_shared>>
    tpu.wait_indirect_dma semaphore(%arg21 : memref<!tpu.dma_semaphore, #tpu.memory_space<semaphore_mem>>) src(%arg9 : memref<128x128xf32, #tpu.memory_space<vmem>>) dst(%dma_wait3A_56 : memref<10112x128xf32, #tpu.memory_space<vmem_shared>>)
    %dma_wait3A_57 = arith.constant 0 : i32
    %dma_wait3A_58 = arith.constant 0 : i32
    %dma_wait3A_59 = tpu.memref_slice %arg6[%dma_wait3A_57, %dma_wait3A_58] : memref<10112x128xf32, #tpu.memory_space<vmem_shared>> -> memref<10112x128xf32, #tpu.memory_space<vmem_shared>>
    tpu.wait_indirect_dma semaphore(%arg22 : memref<!tpu.dma_semaphore, #tpu.memory_space<semaphore_mem>>) src(%arg10 : memref<128x128xf32, #tpu.memory_space<vmem>>) dst(%dma_wait3A_59 : memref<10112x128xf32, #tpu.memory_space<vmem_shared>>)
    %barrier3A_60 = arith.constant 0 : index
    tpu.barrier barrier_id(%barrier3A_60)
    %mul3A_61 = arith.constant 632 : i32
    %mul3A_62 = arith.muli %arg1, %mul3A_61 : i32
    %mul3A_63 = arith.constant 632 : i32
    %mul3A_64 = arith.muli %arg1, %mul3A_63 : i32
    "tpu.region"() ({
      %run_scoped3A_65 = tpu.sem_alloc : memref<!tpu.dma_semaphore, #tpu.memory_space<semaphore_mem>>
      %dma_start3A_66 = arith.constant 0 : i32
      %dma_start3A_67 = tpu.memref_slice %arg5[%arg0, %mul3A_64, %dma_start3A_66] : memref<2x10112x128xf32, #tpu.memory_space<hbm>> -> memref<1x632x128xf32, #tpu.memory_space<hbm>>
      %dma_start3A_68 = tpu.memref_squeeze %dma_start3A_67 : memref<1x632x128xf32, #tpu.memory_space<hbm>> -> memref<632x128xf32, #tpu.memory_space<hbm>>
      %dma_start3A_69 = arith.constant 0 : i32
      %dma_start3A_70 = tpu.memref_slice %arg6[%mul3A_62, %dma_start3A_69] : memref<10112x128xf32, #tpu.memory_space<vmem_shared>> -> memref<632x128xf32, #tpu.memory_space<vmem_shared>>
      tpu.enqueue_dma source(%dma_start3A_70 : memref<632x128xf32, #tpu.memory_space<vmem_shared>>) target(%dma_start3A_68 : memref<632x128xf32, #tpu.memory_space<hbm>>) target_semaphore(%run_scoped3A_65 : memref<!tpu.dma_semaphore, #tpu.memory_space<semaphore_mem>>)
      %dma_wait3A_71 = arith.constant 0 : i32
      %dma_wait3A_72 = tpu.memref_slice %arg5[%arg0, %mul3A_64, %dma_wait3A_71] : memref<2x10112x128xf32, #tpu.memory_space<hbm>> -> memref<1x632x128xf32, #tpu.memory_space<hbm>>
      %dma_wait3A_73 = tpu.memref_squeeze %dma_wait3A_72 : memref<1x632x128xf32, #tpu.memory_space<hbm>> -> memref<632x128xf32, #tpu.memory_space<hbm>>
      %dma_wait3A_74 = arith.constant 0 : i32
      %dma_wait3A_75 = tpu.memref_slice %arg6[%mul3A_62, %dma_wait3A_74] : memref<10112x128xf32, #tpu.memory_space<vmem_shared>> -> memref<632x128xf32, #tpu.memory_space<vmem_shared>>
      tpu.wait_dma2 semaphore(%run_scoped3A_65 : memref<!tpu.dma_semaphore, #tpu.memory_space<semaphore_mem>>) src(%dma_wait3A_75 : memref<632x128xf32, #tpu.memory_space<vmem_shared>>) dst(%dma_wait3A_73 : memref<632x128xf32, #tpu.memory_space<hbm>>)
      tpu.yield
    }) : () -> ()
    return
  }
}

module attributes {stable_mosaic.version = 14 : i64} {
  func.func @_mlp_body(%arg0: i32, %arg1: memref<2x2528x128xf32, #tpu.memory_space<vmem>>, %arg2: memref<128x256xf32, #tpu.memory_space<vmem>>, %arg3: memref<1x256xf32, #tpu.memory_space<vmem>>, %arg4: memref<3x256x256xf32, #tpu.memory_space<vmem>>, %arg5: memref<3x1x256xf32, #tpu.memory_space<vmem>>, %arg6: memref<256x1xf32, #tpu.memory_space<vmem>>, %arg7: memref<2528x1xf32, #tpu.memory_space<vmem>>) attributes {dimension_semantics = [#tpu.dimension_semantics<arbitrary>], iteration_bounds = array<i64: 4>, scalar_prefetch = 0 : i64, scratch_operands = 0 : i64, tpu.core_type = #tpu.core_type<tc>, window_params = [{transform_indices = @transform_0, window_bounds = array<i64: 2, 2528, 128>}, {pipeline_mode = #tpu.pipeline_mode<synchronous>, transform_indices = @transform_1, window_bounds = array<i64: 128, 256>}, {pipeline_mode = #tpu.pipeline_mode<synchronous>, transform_indices = @transform_2, window_bounds = array<i64: 1, 256>}, {pipeline_mode = #tpu.pipeline_mode<synchronous>, transform_indices = @transform_3, window_bounds = array<i64: 3, 256, 256>}, {pipeline_mode = #tpu.pipeline_mode<synchronous>, transform_indices = @transform_4, window_bounds = array<i64: 3, 1, 256>}, {pipeline_mode = #tpu.pipeline_mode<synchronous>, transform_indices = @transform_5, window_bounds = array<i64: 256, 1>}, {transform_indices = @transform_6, window_bounds = array<i64: 2528, 1>}]} {
    %get3A = arith.constant 0 : index
    %get3A_0 = arith.constant 0 : index
    %get3A_1 = arith.constant 0 : index
    %get3A_2 = vector.load %arg1[%get3A, %get3A_0, %get3A_1] : memref<2x2528x128xf32, #tpu.memory_space<vmem>>, vector<1x2528x128xf32>
    %get3A_3 = vector.shape_cast %get3A_2 : vector<1x2528x128xf32> to vector<2528x128xf32>
    %get3A_4 = arith.constant 1 : index
    %get3A_5 = arith.constant 0 : index
    %get3A_6 = arith.constant 0 : index
    %get3A_7 = vector.load %arg1[%get3A_4, %get3A_5, %get3A_6] : memref<2x2528x128xf32, #tpu.memory_space<vmem>>, vector<1x2528x128xf32>
    %get3A_8 = vector.shape_cast %get3A_7 : vector<1x2528x128xf32> to vector<2528x128xf32>
    %add3A = arith.addf %get3A_3, %get3A_8 : vector<2528x128xf32>
    %convert_element_type3A = arith.truncf %add3A : vector<2528x128xf32> to vector<2528x128xbf16>
    %get3A_9 = arith.constant 0 : index
    %get3A_10 = arith.constant 0 : index
    %get3A_11 = vector.load %arg2[%get3A_9, %get3A_10] : memref<128x256xf32, #tpu.memory_space<vmem>>, vector<128x256xf32>
    %convert_element_type3A_12 = arith.truncf %get3A_11 : vector<128x256xf32> to vector<128x256xbf16>
    %dot_general3A = arith.constant dense<0.000000e+00> : vector<2528x256xf32>
    %dot_general3A_13 = tpu.matmul %convert_element_type3A, %convert_element_type3A_12, %dot_general3A {dimension_numbers = #tpu.dot_dimension_numbers<[1], [0], [0], [1], [0, 0, 1, 1], [], []>, transpose_lhs_hint = false} : vector<2528x128xbf16>, vector<128x256xbf16>, vector<2528x256xf32> -> vector<2528x256xf32>
    %get3A_14 = arith.constant 0 : index
    %get3A_15 = arith.constant 0 : index
    %get3A_16 = vector.load %arg3[%get3A_14, %get3A_15] : memref<1x256xf32, #tpu.memory_space<vmem>>, vector<1x256xf32>
    %add3A_17 = vector.broadcast %get3A_16 : vector<1x256xf32> to vector<2528x256xf32>
    %add3A_18 = arith.addf %dot_general3A_13, %add3A_17 : vector<2528x256xf32>
    %convert_element_type3A_19 = arith.truncf %add3A_18 : vector<2528x256xf32> to vector<2528x256xbf16>
    %get3A_20 = arith.constant 0 : index
    %get3A_21 = arith.constant 0 : index
    %get3A_22 = arith.constant 0 : index
    %get3A_23 = vector.load %arg4[%get3A_20, %get3A_21, %get3A_22] : memref<3x256x256xf32, #tpu.memory_space<vmem>>, vector<1x256x256xf32>
    %get3A_24 = vector.shape_cast %get3A_23 : vector<1x256x256xf32> to vector<256x256xf32>
    %convert_element_type3A_25 = arith.truncf %get3A_24 : vector<256x256xf32> to vector<256x256xbf16>
    %dot_general3A_26 = arith.constant dense<0.000000e+00> : vector<2528x256xf32>
    %dot_general3A_27 = tpu.matmul %convert_element_type3A_19, %convert_element_type3A_25, %dot_general3A_26 {dimension_numbers = #tpu.dot_dimension_numbers<[1], [0], [0], [1], [0, 0, 1, 1], [], []>, transpose_lhs_hint = false} : vector<2528x256xbf16>, vector<256x256xbf16>, vector<2528x256xf32> -> vector<2528x256xf32>
    %get3A_28 = arith.constant 0 : index
    %get3A_29 = arith.constant 0 : index
    %get3A_30 = arith.constant 0 : index
    %get3A_31 = vector.load %arg5[%get3A_28, %get3A_29, %get3A_30] : memref<3x1x256xf32, #tpu.memory_space<vmem>>, vector<1x1x256xf32>
    %get3A_32 = vector.shape_cast %get3A_31 : vector<1x1x256xf32> to vector<1x256xf32>
    %add3A_33 = vector.broadcast %get3A_32 : vector<1x256xf32> to vector<2528x256xf32>
    %add3A_34 = arith.addf %dot_general3A_27, %add3A_33 : vector<2528x256xf32>
    %logistic3A = arith.negf %add3A_34 : vector<2528x256xf32>
    %logistic3A_35 = math.exp %logistic3A : vector<2528x256xf32>
    %logistic3A_36 = arith.constant 1.000000e+00 : f32
    %logistic3A_37 = vector.broadcast %logistic3A_36 : f32 to vector<2528x256xf32>
    %logistic3A_38 = arith.addf %logistic3A_37, %logistic3A_35 : vector<2528x256xf32>
    %logistic3A_39 = arith.divf %logistic3A_37, %logistic3A_38 : vector<2528x256xf32>
    %mul3A = arith.mulf %add3A_34, %logistic3A_39 : vector<2528x256xf32>
    %convert_element_type3A_40 = arith.truncf %mul3A : vector<2528x256xf32> to vector<2528x256xbf16>
    %get3A_41 = arith.constant 1 : index
    %get3A_42 = arith.constant 0 : index
    %get3A_43 = arith.constant 0 : index
    %get3A_44 = vector.load %arg4[%get3A_41, %get3A_42, %get3A_43] : memref<3x256x256xf32, #tpu.memory_space<vmem>>, vector<1x256x256xf32>
    %get3A_45 = vector.shape_cast %get3A_44 : vector<1x256x256xf32> to vector<256x256xf32>
    %convert_element_type3A_46 = arith.truncf %get3A_45 : vector<256x256xf32> to vector<256x256xbf16>
    %dot_general3A_47 = arith.constant dense<0.000000e+00> : vector<2528x256xf32>
    %dot_general3A_48 = tpu.matmul %convert_element_type3A_40, %convert_element_type3A_46, %dot_general3A_47 {dimension_numbers = #tpu.dot_dimension_numbers<[1], [0], [0], [1], [0, 0, 1, 1], [], []>, transpose_lhs_hint = false} : vector<2528x256xbf16>, vector<256x256xbf16>, vector<2528x256xf32> -> vector<2528x256xf32>
    %get3A_49 = arith.constant 1 : index
    %get3A_50 = arith.constant 0 : index
    %get3A_51 = arith.constant 0 : index
    %get3A_52 = vector.load %arg5[%get3A_49, %get3A_50, %get3A_51] : memref<3x1x256xf32, #tpu.memory_space<vmem>>, vector<1x1x256xf32>
    %get3A_53 = vector.shape_cast %get3A_52 : vector<1x1x256xf32> to vector<1x256xf32>
    %add3A_54 = vector.broadcast %get3A_53 : vector<1x256xf32> to vector<2528x256xf32>
    %add3A_55 = arith.addf %dot_general3A_48, %add3A_54 : vector<2528x256xf32>
    %logistic3A_56 = arith.negf %add3A_55 : vector<2528x256xf32>
    %logistic3A_57 = math.exp %logistic3A_56 : vector<2528x256xf32>
    %logistic3A_58 = arith.constant 1.000000e+00 : f32
    %logistic3A_59 = vector.broadcast %logistic3A_58 : f32 to vector<2528x256xf32>
    %logistic3A_60 = arith.addf %logistic3A_59, %logistic3A_57 : vector<2528x256xf32>
    %logistic3A_61 = arith.divf %logistic3A_59, %logistic3A_60 : vector<2528x256xf32>
    %mul3A_62 = arith.mulf %add3A_55, %logistic3A_61 : vector<2528x256xf32>
    %convert_element_type3A_63 = arith.truncf %mul3A_62 : vector<2528x256xf32> to vector<2528x256xbf16>
    %get3A_64 = arith.constant 2 : index
    %get3A_65 = arith.constant 0 : index
    %get3A_66 = arith.constant 0 : index
    %get3A_67 = vector.load %arg4[%get3A_64, %get3A_65, %get3A_66] : memref<3x256x256xf32, #tpu.memory_space<vmem>>, vector<1x256x256xf32>
    %get3A_68 = vector.shape_cast %get3A_67 : vector<1x256x256xf32> to vector<256x256xf32>
    %convert_element_type3A_69 = arith.truncf %get3A_68 : vector<256x256xf32> to vector<256x256xbf16>
    %dot_general3A_70 = arith.constant dense<0.000000e+00> : vector<2528x256xf32>
    %dot_general3A_71 = tpu.matmul %convert_element_type3A_63, %convert_element_type3A_69, %dot_general3A_70 {dimension_numbers = #tpu.dot_dimension_numbers<[1], [0], [0], [1], [0, 0, 1, 1], [], []>, transpose_lhs_hint = false} : vector<2528x256xbf16>, vector<256x256xbf16>, vector<2528x256xf32> -> vector<2528x256xf32>
    %get3A_72 = arith.constant 2 : index
    %get3A_73 = arith.constant 0 : index
    %get3A_74 = arith.constant 0 : index
    %get3A_75 = vector.load %arg5[%get3A_72, %get3A_73, %get3A_74] : memref<3x1x256xf32, #tpu.memory_space<vmem>>, vector<1x1x256xf32>
    %get3A_76 = vector.shape_cast %get3A_75 : vector<1x1x256xf32> to vector<1x256xf32>
    %add3A_77 = vector.broadcast %get3A_76 : vector<1x256xf32> to vector<2528x256xf32>
    %add3A_78 = arith.addf %dot_general3A_71, %add3A_77 : vector<2528x256xf32>
    %logistic3A_79 = arith.negf %add3A_78 : vector<2528x256xf32>
    %logistic3A_80 = math.exp %logistic3A_79 : vector<2528x256xf32>
    %logistic3A_81 = arith.constant 1.000000e+00 : f32
    %logistic3A_82 = vector.broadcast %logistic3A_81 : f32 to vector<2528x256xf32>
    %logistic3A_83 = arith.addf %logistic3A_82, %logistic3A_80 : vector<2528x256xf32>
    %logistic3A_84 = arith.divf %logistic3A_82, %logistic3A_83 : vector<2528x256xf32>
    %mul3A_85 = arith.mulf %add3A_78, %logistic3A_84 : vector<2528x256xf32>
    %convert_element_type3A_86 = arith.truncf %mul3A_85 : vector<2528x256xf32> to vector<2528x256xbf16>
    %get3A_87 = arith.constant 0 : index
    %get3A_88 = arith.constant 0 : index
    %get3A_89 = vector.load %arg6[%get3A_87, %get3A_88] : memref<256x1xf32, #tpu.memory_space<vmem>>, vector<256x1xf32>
    %convert_element_type3A_90 = arith.truncf %get3A_89 : vector<256x1xf32> to vector<256x1xbf16>
    %dot_general3A_91 = arith.constant dense<0.000000e+00> : vector<2528x1xf32>
    %dot_general3A_92 = tpu.matmul %convert_element_type3A_86, %convert_element_type3A_90, %dot_general3A_91 {dimension_numbers = #tpu.dot_dimension_numbers<[1], [0], [0], [1], [0, 0, 1, 1], [], []>, transpose_lhs_hint = false} : vector<2528x256xbf16>, vector<256x1xbf16>, vector<2528x1xf32> -> vector<2528x1xf32>
    %swap3A = arith.constant 0 : index
    %swap3A_93 = arith.constant 0 : index
    %swap3A_94 = vector.load %arg7[%swap3A, %swap3A_93] : memref<2528x1xf32, #tpu.memory_space<vmem>>, vector<2528x1xf32>
    tpu.vector_store %arg7[%swap3A, %swap3A_93], %dot_general3A_92 {strides = array<i32>} : memref<2528x1xf32, #tpu.memory_space<vmem>>, vector<2528x1xf32>,
    return
  }
  func.func @transform_0(%arg0: i32) -> (i32, i32, i32) {
    %c0_i32 = arith.constant 0 : i32
    %c0_i32_0 = arith.constant 0 : i32
    %c0_i32_1 = arith.constant 0 : i32
    return %c0_i32, %arg0, %c0_i32_0 : i32, i32, i32
  }
  func.func @transform_1(%arg0: i32) -> (i32, i32) {
    %c0_i32 = arith.constant 0 : i32
    %c0_i32_0 = arith.constant 0 : i32
    %c0_i32_1 = arith.constant 0 : i32
    return %c0_i32, %c0_i32_0 : i32, i32
  }
  func.func @transform_2(%arg0: i32) -> (i32, i32) {
    %c0_i32 = arith.constant 0 : i32
    %c0_i32_0 = arith.constant 0 : i32
    %c0_i32_1 = arith.constant 0 : i32
    return %c0_i32, %c0_i32_0 : i32, i32
  }
  func.func @transform_3(%arg0: i32) -> (i32, i32, i32) {
    %c0_i32 = arith.constant 0 : i32
    %c0_i32_0 = arith.constant 0 : i32
    %c0_i32_1 = arith.constant 0 : i32
    %c0_i32_2 = arith.constant 0 : i32
    return %c0_i32, %c0_i32_0, %c0_i32_1 : i32, i32, i32
  }
  func.func @transform_4(%arg0: i32) -> (i32, i32, i32) {
    %c0_i32 = arith.constant 0 : i32
    %c0_i32_0 = arith.constant 0 : i32
    %c0_i32_1 = arith.constant 0 : i32
    %c0_i32_2 = arith.constant 0 : i32
    return %c0_i32, %c0_i32_0, %c0_i32_1 : i32, i32, i32
  }
  func.func @transform_5(%arg0: i32) -> (i32, i32) {
    %c0_i32 = arith.constant 0 : i32
    %c0_i32_0 = arith.constant 0 : i32
    %c0_i32_1 = arith.constant 0 : i32
    return %c0_i32, %c0_i32_0 : i32, i32
  }
  func.func @transform_6(%arg0: i32) -> (i32, i32) {
    %c0_i32 = arith.constant 0 : i32
    %c0_i32_0 = arith.constant 0 : i32
    return %arg0, %c0_i32 : i32, i32
  }
}

</mosaic_0001>

<sc_bundles>
// kernel: kernel.4.cloned.1.call-start
scs
__scs_entry_jumppad:
0x0: {  	(pc) =	sbr.rel $0x88, $3  }
0x1: {  	(tag) =	ssettag $0x0;
	lr =	simm.s32 $0x1  }
0x2: {  	[smem:$0x3F9A] =	sst lr;
	_ =	strace $0xD0000000  }
0x3: {  	_ = 	snop  }
0x4: {  	_ = 	snop  }
0x5: {  	_ = 	snop  }
0x6: {  	_ = 	snop  }
0x7: {  	_ = 	snop  }
__scs_overlays_trampoline_lowered:
0x8: {  	[smem:$0x3FA9] =	sst s0  }
0x9: {  	[smem:$0x3FAA] =	sst s1  }
0xa: {  	[smem:$0x3FAB] =	sst s2  }
0xb: {  	[smem:$0x3FAC] =	sst s3  }
0xc: {  	[smem:$0x3FAD] =	sst s4  }
0xd: {  	[smem:$0x3FAE] =	sst s5  }
0xe: {  	[smem:$0x3FAF] =	sst s6  }
0xf: {  	[smem:$0x3FB0] =	sst s7  }
0x10: {  	[smem:$0x3FB1] =	sst s8  }
0x11: {  	[smem:$0x3FB2] =	sst s9;
	s0 =	simm.s32 @!p0 $0x0  }
0x12: {  	s1 =	sld [smem:$0x3F98];
	s0 =	simm.s32 @p0 $0x1  }
0x13: {  	[smem:$0x3FB3] =	sst s0;
	s0 =	simm.s32 @!p1 $0x0  }
0x14: {  	s2 =	sld [smem:$0x3F97];
	s0 =	simm.s32 @p1 $0x1  }
0x15: {  	[smem:$0x3FB4] =	sst s0;
	s0 =	simm.s32 @!p2 $0x0  }
0x16: {  	s3 =	sld [smem:$0x3FDB];
	s0 =	simm.s32 @p2 $0x1  }
0x17: {  	s4 =	simm.s32 $0x1BF5;
	[smem:$0x3FB6] =	sst s0  }
0x18: {  	s0 =	sld [smem:$0x3F99];
	_ =	swait.ge [sflag:s4], $0x0  }
0x19: {  	s7 =	sld [smem:$0x3F9A]  }
0x1a: {  	s8 =	sadd.s32 $0xFFFFE003, lr  }
0x1b: {  	s9 =	sadd.s32 $0xFFFFFEF7, lr;
	s5 =	simm.s32 $0xFFFFFFFF;
	p2 =	slt.u32 s8, $0xFFFFF086  }
0x1c: {  	p1 =	slt.u32 s9, $0xF7A;
	s5 =	simm.s32 @!p2 $0x0  }
0x1d: {  	s5 =	simm.s32 @p1 $0x1;
	p0 =	seq.s32 s7, s2  }
0x1e: {  	s7 =	smul.u32 @!p0 $0xF7A, s2;
	p2 =	seq.s32 @!p0 s5, $0x0  }
0x1f: {  	s9 =	smul.u32 $0xF7A, s1;
	s8 =	simm.s32 @!p0 $0x1BF5;
	p2 =	por !p2, p0  }
0x20: {  	[sflag:s8] =	ssyncset.s32 @!p0 $0xFFFFF086;
	s6 =	sadd.s32 @!p0 s3, s7;
	s7 =	simm.s32 @!p0 $0x108  }
0x21: {  	s3 =	sadd.s32 s3, s9;
	s6 =	sadd.s32 @!p0 $0x88, s6;
	s7 =	simm.s32 @p2 $0x1082  }
0x22: {  	[simem:s7], [sflag:s8] =	dma.local @!p0 [hbm:s6], $0xF7A  }
0x23: {  	s9 =	sor.u32 $0xD0000000, s2;
	s6 =	simm.s32 $0x108;
	_ =	swait.ge @!p0 [sflag:s8], $0x0  }
0x24: {  	s3 =	sadd.s32 $0x88, s3;
	s6 =	simm.s32 @!p1 $0x1082;
	[sflag:s4] =	ssyncset.s32 $0xFFFFF086  }
0x25: {  	[simem:s6], [sflag:s4] =	dma.local [hbm:s3], $0xF7A  }
0x26: {  	[smem:$0x3F9A] =	sst s1;
	(tag) =	ssettag s2;
	_ =	strace s9  }
0x27: {  	s1 =	sld [smem:$0x3FAA]  }
0x28: {  	s2 =	sld [smem:$0x3FAB]  }
0x29: {  	s4 =	sld [smem:$0x3FAD]  }
0x2a: {  	p0 =	seq.s32 s5, $0x0;
	s5 =	sld [smem:$0x3FAE]  }
0x2b: {  	s6 =	sld [smem:$0x3FAF]  }
0x2c: {  	s7 =	sld [smem:$0x3FB0]  }
0x2d: {  	s3 =	simm.s32 $0x108;
	s8 =	sld [smem:$0x3FB1]  }
0x2e: {  	s3 =	simm.s32 @!p0 $0x1082;
	s9 =	sld [smem:$0x3FB2]  }
0x2f: {  	lr =	sadd.s32 s0, s3;
	s0 =	sld [smem:$0x3FA9]  }
0x30: {  	s3 =	sld [smem:$0x3FAC]  }
0x31: {  	[smem:$0x3FB5] =	sst s10  }
0x32: {  	s10 =	sld [smem:$0x3FB3];
	_ =	sdelay $0x3  }
0x33: {  	p0 =	seq.s32 s10, $0x1;
	s10 =	sld [smem:$0x3FB5];
	_ =	sdelay $0x3  }
0x34: {  	[smem:$0x3FB5] =	sst s10  }
0x35: {  	s10 =	sld [smem:$0x3FB4];
	_ =	sdelay $0x3  }
0x36: {  	p1 =	seq.s32 s10, $0x1;
	s10 =	sld [smem:$0x3FB5];
	_ =	sdelay $0x3  }
0x37: {  	[smem:$0x3FB5] =	sst s10  }
0x38: {  	s10 =	sld [smem:$0x3FB6]  }
0x39: {  	_ = 	snop;
	(pc) =	sbr.ind lr, $3  }
0x3a: {  	_ = 	snop  }
0x3b: {  	_ = 	snop  }
0x3c: {  	p2 =	seq.s32 s10, $0x1;
	s10 =	sld [smem:$0x3FB5]  }
0x3d: {  	_ =	shalt  }
0x3e: {  	_ =	shalt  }
0x3f: {  	_ =	shalt  }
0x40: {  	_ =	shalt  }
0x41: {  	_ =	shalt  }
0x42: {  	_ =	shalt  }
0x43: {  	_ =	shalt  }
0x44: {  	_ =	shalt  }
0x45: {  	_ =	shalt  }
0x46: {  	_ =	shalt  }
0x47: {  	_ =	shalt  }
0x48: {  	_ =	shalt  }
0x49: {  	_ =	shalt  }
0x4a: {  	_ =	shalt  }
0x4b: {  	_ =	shalt  }
0x4c: {  	_ =	shalt  }
0x4d: {  	_ =	shalt  }
0x4e: {  	_ =	shalt  }
0x4f: {  	_ =	shalt  }
0x50: {  	_ =	shalt  }
0x51: {  	_ =	shalt  }
0x52: {  	_ =	shalt  }
0x53: {  	_ =	shalt  }
0x54: {  	_ =	shalt  }
0x55: {  	_ =	shalt  }
0x56: {  	_ =	shalt  }
0x57: {  	_ =	shalt  }
0x58: {  	_ =	shalt  }
0x59: {  	_ =	shalt  }
0x5a: {  	_ =	shalt  }
0x5b: {  	_ =	shalt  }
0x5c: {  	_ =	shalt  }
0x5d: {  	_ =	shalt  }
0x5e: {  	_ =	shalt  }
0x5f: {  	_ =	shalt  }
0x60: {  	_ =	shalt  }
0x61: {  	_ =	shalt  }
0x62: {  	_ =	shalt  }
0x63: {  	_ =	shalt  }
0x64: {  	_ =	shalt  }
0x65: {  	_ =	shalt  }
0x66: {  	_ =	shalt  }
0x67: {  	_ =	shalt  }
0x68: {  	_ =	shalt  }
0x69: {  	_ =	shalt  }
0x6a: {  	_ =	shalt  }
0x6b: {  	_ =	shalt  }
0x6c: {  	_ =	shalt  }
0x6d: {  	_ =	shalt  }
0x6e: {  	_ =	shalt  }
0x6f: {  	_ =	shalt  }
0x70: {  	_ =	shalt  }
0x71: {  	_ =	shalt  }
0x72: {  	_ =	shalt  }
0x73: {  	_ =	shalt  }
0x74: {  	_ =	shalt  }
0x75: {  	_ =	shalt  }
0x76: {  	_ =	shalt  }
0x77: {  	_ =	shalt  }
0x78: {  	_ =	shalt  }
0x79: {  	_ =	shalt  }
0x7a: {  	_ =	shalt  }
0x7b: {  	_ =	shalt  }
0x7c: {  	_ =	shalt  }
0x7d: {  	_ =	shalt  }
0x7e: {  	_ =	shalt  }
0x7f: {  	_ =	shalt  }
0x80: {  	_ =	shalt  }
0x81: {  	_ =	shalt  }
0x82: {  	_ =	shalt  }
0x83: {  	_ =	shalt  }
0x84: {  	_ =	shalt  }
0x85: {  	_ =	shalt  }
0x86: {  	_ =	shalt  }
0x87: {  	_ =	shalt  }
.Lfunc_end0:
.L_simem_size_0:
called_computation_lowered:
.L_overlay_start_0:
0x88: {  	s2 =	sld [smem:$0x3FD9]  }
0x89: {  	s3 =	sld [smem:$0x3FFE];
	_ =	sdelay $0x1  }
0x8a: {  	s1 =	srdreg.scid  }
0x8b: {  	s0 =	sand.u32 $0x1, s1  }
0x8c: {  	s17 =	sshll.u32 s0, $0xA;
	s2 =	sadd.s32 s3, s2  }
0x8d: {  	s2 =	sadd.s32 s2, s17  }
0x8e: {  	[smem:$0x3FC1] =	sst s2  }
0x8f: {  	_ = 	snop  }
0x90: {  	s2 =	sld [smem:$0x3FC9]  }
0x91: {  	s18 =	sld [smem:$0x3FC8];
	(tm) =	ssettm $0x1  }
0x92: {  	s4 =	sld [smem:$0x3FFB];
	_ =	sdelay $0x3  }
0x93: {  	_ =	strace s4  }
0x94: {  	s4 =	sld [smem:$0x3FFC];
	_ =	sdelay $0x3  }
0x95: {  	_ =	strace s4  }
0x96: {  	s4 =	sld [smem:$0x3FFD];
	_ =	sdelay $0x3  }
0x97: {  	_ =	strace s4  }
0x98: {  	_ =	strace $0x8FFFFFFF  }
0x99: {  	s19 =	sld [smem:$0x3FDB];
	_ =	sdelay $0x1  }
0x9a: {  	s5 =	simm.s32 $_scs_section_size  }
0x9b: {  	s6 =	simm.s32 $_size__tile_overlayer_lowered;
	s7 =	simm.s32 $_tile_overlayer_lowered  }
0x9c: {  	s22 =	simm.s32 $0x1BFF;
	s21 =	sshll.u32 s7, $0x1;
	s4 =	sadd.s32 s5, s19  }
0x9d: {  	s8 =	simm.s32 $0x0;
	s20 =	sshll.u32 s6, $0x1;
	s6 =	sadd.s32 s21, s4  }
0x9e: {  	[timem:s8], [sflag:s22] =	dma.local [hbm:s6], s20  }
0x9f: {  	_ =	swait.ge [sflag:s22], s20  }
0xa0: {  	s5 =	ssub.s32 $0x0, s20;
	[sflag:s22] =	ssyncset.done $0x0  }
0xa1: {  	[sflag:s22] =	ssyncadd.s32 s5;
	_ =	sdelay $0x1  }
0xa2: {  	s23 =	simm.s32 $0x1B8B  }
0xa3: {  	_ =	swait.ge [sflag:s23], $0x1  }
0xa4: {  	[sflag:s23] =	ssyncset.done $0x0  }
0xa5: {  	s25 =	simm.s32 $0x1B8E;
	s24 =	sld [smem:$0x3FFE];
	[sflag:s23] =	ssyncadd.s32 $0xFFFFFFFF  }
0xa6: {  	s26 =	simm.s32 $execute0_lowered;
	[smem:$0x3FD2] =	sst s25  }
0xa7: {  	s6 =	sshll.u32 s26, $0x1;
	_ =	strace $0x80000046;
	[dreg:$0x1] =	wrdreg $0xFFFFFFFF  }
0xa8: {  	s28 =	simm.s32 $_size_execute0_lowered;
	s4 =	sadd.s32 s4, s6;
	[dreg:$0x0] =	wrdreg $0x0  }
0xa9: {  	s6 =	sshll.u32 s28, $0x1;
	[dreg:$0x2] =	wrdreg s4  }
0xaa: {  	[dreg:$0x3] =	wrdreg s6  }
0xab: {  	[dreg:$0x4] =	wrdreg $0xC0  }
0xac: {  	_ =	task [dreg:s8], $0x5FFFF  }
0xad: {  	[dreg:$0x1] =	wrdreg $0xFFFFFFFF  }
0xae: {  	[dreg:$0x0] =	wrdreg $0x60  }
0xaf: {  	[dreg:$0x2] =	wrdreg s2  }
0xb0: {  	[dreg:$0x3] =	wrdreg s18  }
0xb1: {  	[dreg:$0x4] =	wrdreg s24  }
0xb2: {  	[dreg:$0x5] =	wrdreg $0x0  }
0xb3: {  	[dreg:$0x6] =	wrdreg $0x9  }
0xb4: {  	_ =	task.clear_ibuf [dreg:s8], $0x7FFFF;
	_ =	strace $0x90000046  }
0xb5: {  	s29 =	simm.s32 $0x9;
	_ =	strace $0x80000048  }
0xb6: {  	_ =	swait.ge [sflag:s29], $0x1  }
0xb7: {  	[sflag:s29] =	ssyncadd.s32 $0xFFFFFFFF  }
0xb8: {  	_ =	strace $0x90000048  }
0xb9: {  	_ =	sfence  }
0xba: {  	s30 =	sld [smem:$0x0];
	_ =	sdelay $0x2  }
0xbb: {  	s31 =	sshll.u32 s1, $0xD;
	s1 =	sshrl.u32 s1, $0x2  }
0xbc: {  	s3 =	sand.u32 $0x4000, s31;
	s1 =	sadd.s32 s1, s30  }
0xbd: {  	s0 =	sor.u32 s3, s0;
	s1 =	sshll.u32 s1, $0x11  }
0xbe: {  	s0 =	sor.u32 s1, s0  }
0xbf: {  	s0 =	sadd.s32 $0x8F2B, s0  }
0xc0: {  	[sflag:s0] =	ssyncadd.remote.s32 $0x1  }
0xc1: {  	_ =	sfence.sel $0xFFFF  }
0xc2: {  	[dreg:$0x0] =	wrdreg $0xFFFFFFFF;
	(pc) =	sbr.abs _section_cstart, $3  }
0xc3: {  	[dreg:$0x1] =	wrdreg $0xFFFFFFFF  }
0xc4: {  	_ =	task.clear_ibuf [dreg:s8], $0x2FFFF;
	_ =	strace $0x9FFFFFFF  }
0xc5: {  	(tm) =	ssettm $0x7FFFFFFF  }
tec
execute0_lowered:
.L_overlay_start_1:
0x0: {  	(tag) =	ssettag $0x1  }
0x1: {  	s0 =	rddreg [dreg:$0x0]  }
0x2: {  	s1 =	rddreg [dreg:$0x1]  }
0x3: {  	s2 =	rddreg [dreg:$0x2]  }
0x4: {  	s3 =	rddreg [dreg:$0x3]  }
0x5: {  	s4 =	srdreg.scid;
	s14 =	stileid.u32;
	s28 =	simm.s32 $0x1FD80  }
0x6: {  	s29 =	simm.s32 $0xA;
	s30 =	simm.s32 $0x4;
	s31 =	simm.s32 $0x1  }
0x7: {  	s5 =	sand.u32 $0x1, s4;
	s4 =	simm.s32 $0x0;
	s7 =	smul.u32 $0x13C00, s14  }
0x8: {  	s8 =	sshll.u32 s14, $0x1;
	s10 =	sadd.s32 $0x1000, s2;
	s26 =	smul.u32 $0x4F000, s14  }
0x9: {  	s21 =	sadd.s32 $0x4E2000, s0;
	s6 =	smul.u32 $0x13C000, s5;
	s8 =	sor.u32 s5, s8  }
0xa: {  	s16 =	sshll.u32 s14, $0x6;
	[smem:$0x7FF] =	sst s4;
	s18 =	smul.u32 $0x2710, s8  }
0xb: {  	s9 =	ssub.s32 $0x2, s5;
	_ =	strace $0x80000047;
	s8 =	smul.u32 $0x138800, s8  }
0xc: {  	[dreg:$0x5] =	wrdreg s10;
	s19 =	sshrl.u32 s9, $0x1;
	s6 =	sadd.s32 s7, s6  }
0xd: {  	s15 =	sshrl.u32 s26, $0x2;
	s6 =	sshrl.u32 s6, $0x3;
	s8 =	sshrl.u32 s8, $0x3  }
0xe: {  	s20 =	sadd.s32 $0x80, s18;
	s11 =	sshrl.u32 s18, $0x3;
	s25 =	sadd.s32 $0x100, s18  }
0xf: {  	s7 =	sadd.s32 $0x2700, s18;
	s18 =	smul.u32 $0x4E20, s14;
	s2 =	sadd.s32 s6, s2  }
0x10: {  	s6 =	ssub.s32 s9, s19;
	s12 =	sshll.u32 s20, $0x4;
	s8 =	sadd.s32 s8, s21  }
0x11: {  	s22 =	sadd.s32 s1, s11;
	s24 =	sshrl.u32 s20, $0x3;
	s9 =	sshrl.u32 s25, $0x3  }
0x12: {  	s17 =	sshrl.u32 s7, $0x3;
	s7 =	sshll.u32 s7, $0x4;
	[dreg:$0x6] =	wrdreg s8  }
0x13: {  	s19 =	smul.u32 $0x2710, s5;
	[dreg:$0x7] =	wrdreg s22;
	s23 =	sadd.s32 s12, s21  }
0x14: {  	s20 =	smul.u32 $0x4E200, s14;
	s8 =	sadd.s32 s1, s24;
	[dreg:$0x8] =	wrdreg s23  }
0x15: {  	s5 =	smul.u32 $0x27100, s5;
	s13 =	sadd.s32 s1, s9;
	[dreg:$0x9] =	wrdreg s8  }
0x16: {  	s12 =	sshll.u32 s25, $0x4;
	s7 =	sadd.s32 s7, s21;
	[dreg:$0xb] =	wrdreg s13  }
0x17: {  	s2 =	sadd.s32 $0x3800, s2;
	s6 =	smax.u32 s6, $0x1;
	[dreg:$0xe] =	wrdreg s7  }
0x18: {  	s8 =	sadd.s32 s12, s21;
	s13 =	sor.u32 $0x1C0A, s16;
	[dreg:$0xf] =	wrdreg s2  }
0x19: {  	[dreg:$0x10] =	wrdreg s6;
	s21 =	sadd.s32 s19, s18;
	s0 =	sadd.s32 s20, s0  }
0x1a: {  	s2 =	simm.s32 $0x6;
	s6 =	simm.s32 $0x8;
	s7 =	simm.s32 $0x9  }
0x1b: {  	[dreg:$0xa] =	wrdreg s8;
	s8 =	sadd.s32 s15, s3;
	s22 =	sadd.s32 $0x100, s21  }
0x1c: {  	s23 =	sadd.s32 $0x80, s21;
	s18 =	sadd.s32 s5, s0;
	s26 =	sadd.s32 $0x180, s21  }
0x1d: {  	s5 =	simm.s32 $0x13C00;
	[dreg:$0xc] =	wrdreg s8;
	s8 =	sadd.s32 s1, s17  }
.Ltmp0:
0x1e: {  	s24 =	sshrl.u32 s22, $0x3;
	s25 =	sshrl.u32 s23, $0x3;
	(pc) =	sbr.rel .LBB2_1-.Ltmp0, $4  }
0x1f: {  	[dreg:$0x11] =	wrdreg s26;
	s22 =	simm.s32 $0x13C80;
	s23 =	simm.s32 $0x1FC80  }
0x20: {  	s26 =	simm.s32 $0x1BC80;
	[dreg:$0xd] =	wrdreg s8;
	s0 =	sadd.s32 s24, s1  }
0x21: {  	s10 =	sadd.s32 s25, s1;
	s24 =	simm.s32 $0x3;
	s25 =	simm.s32 $0x7  }
0x22: {  	s8 =	simm.s32 $0x0;
	[dreg:$0x12] =	wrdreg s0;
	s0 =	simm.s32 $0x80  }
.LBB2_4:
0x23: {  	s11 =	rddreg [dreg:$0xd]  }
0x24: {  	[tilespmem:s5], [sflag:$0xA] =	stream.linear.gather [hbm4b:s11+s4], $0x10, $0x38;
	[tilespmem:$0x1FE00] =	vst v63  }
0x25: {  	_ =	swait.ge [sflag:s29], $0x10  }
0x26: {  	[sflag:s29] =	ssyncset.done $0x0  }
0x27: {  	s17 =	rddreg [dreg:$0xe];
	[sflag:s29] =	ssyncadd.s32 $0xFFFFFFF0  }
0x28: {  	[tilespmem:s22], [sflag:$0xA] =	stream.linear.gather [hbm4b:s17+s4], $0x800, $0x38;
	[tilespmem:$0x1FE00] =	vst v63  }
0x29: {  	_ =	swait.ge [sflag:s29], $0x800  }
0x2a: {  	[sflag:s29] =	ssyncset.done $0x0  }
0x2b: {  	s19 =	simm.s32 $0x10;
	[sflag:s29] =	ssyncadd.s32 $0xFFFFF800  }
0x2c: {  	[spmem:s3] =	stream.indirect.scatter.add.f32 [tilespmem:s22], [sflag:$0xA], $0x80, s5, s19, $0xb8;
	[tilespmem:$0x1FE00] =	vst v63  }
0x2d: {  	_ =	swait.ge [sflag:s29], $0x800  }
0x2e: {  	[sflag:s29] =	ssyncset.done $0x0  }
0x2f: {  	[sflag:s29] =	ssyncadd.s32 $0xFFFFF800  }
0x30: {  	_ =	swait.ge [sflag:s6], $0x4000  }
0x31: {  	[sflag:s6] =	ssyncset.done $0x0  }
0x32: {  	[sflag:s6] =	ssyncadd.s32 $0xFFFFC000  }
0x33: {  	_ =	swait.ge [sflag:s7], $0x4000  }
0x34: {  	[sflag:s7] =	ssyncset.done $0x0  }
0x35: {  	[sflag:s7] =	ssyncadd.s32 $0xFFFFC000  }
0x36: {  	[bflag:$0x0] =	sbarrier.arrive $0xFFFF  }
0x37: {  	s20 =	rddreg [dreg:$0xf]  }
0x38: {  	[hbm:s20], [sflag:s13] =	dma.local [spmem:s9], $0x2780  }
0x39: {  	_ =	swait.ge [sflag:s29], $0x2780  }
0x3a: {  	s8 =	sadd.s32 $0x1, s8;
	s21 =	rddreg [dreg:$0x10]  }
0x3b: {  	p0 =	sne.s32 s8, s21  }
.Ltmp1:
0x3c: {  	_ = 	snop;
	(pc) =	sbr.rel @!p0 .LBB2_5-.Ltmp1, $3  }
0x3d: {  	_ =	sdelay $0x1  }
0x3e: {  	[sflag:s29] =	ssyncset.done $0x0  }
0x3f: {  	[sflag:s29] =	ssyncadd.s32 $0xFFFFD880  }
.LBB2_1:
0x40: {  	s9 =	rddreg [dreg:$0x6]  }
0x41: {  	s12 =	rddreg [dreg:$0x7]  }
0x42: {  	s14 =	rddreg [dreg:$0x8]  }
0x43: {  	[tilespmem:s22], [sflag:$0x1] =	stream.linear.gather [hbm4b:s9+s4], $0x4000, $0x38;
	[tilespmem:$0x1FE00] =	vst v63  }
0x44: {  	s15 =	rddreg [dreg:$0x9]  }
0x45: {  	[tilespmem:s23], [sflag:$0x4] =	stream.linear.gather [hbm4b:s12+s4], $0x80, $0x38;
	[tilespmem:$0x1FE00] =	vst v63  }
0x46: {  	s11 =	simm.s32 $0x17C80;
	s17 =	rddreg [dreg:$0xa]  }
0x47: {  	[tilespmem:s11], [sflag:$0x2] =	stream.linear.gather [hbm4b:s14+s4], $0x4000, $0x38;
	[tilespmem:$0x1FE00] =	vst v63  }
0x48: {  	s16 =	simm.s32 $0x1FD00;
	s19 =	rddreg [dreg:$0xb]  }
0x49: {  	[tilespmem:s16], [sflag:$0x5] =	stream.linear.gather [hbm4b:s15+s4], $0x80, $0x38;
	[tilespmem:$0x1FE00] =	vst v63  }
0x4a: {  	s20 =	rddreg [dreg:$0xc]  }
0x4b: {  	[tilespmem:s26], [sflag:$0x3] =	stream.linear.gather [hbm4b:s17+s4], $0x4000, $0x38;
	[tilespmem:$0x1FE00] =	vst v63  }
0x4c: {  	s21 =	rddreg [dreg:$0x5];
	s9 =	sshrl.u32 s20, $0x3  }
0x4d: {  	[tilespmem:s28], [sflag:$0x6] =	stream.linear.gather [hbm4b:s19+s4], $0x80, $0x38;
	[tilespmem:$0x1FE00] =	vst v63  }
0x4e: {  	[spmem:s9], [sflag:s13] =	dma.local [hbm:s21], $0x2780  }
0x4f: {  	_ =	swait.ge [sflag:s29], $0x2780  }
0x50: {  	[sflag:s29] =	ssyncset.done $0x0  }
0x51: {  	[sflag:s29] =	ssyncadd.s32 $0xFFFFD880  }
0x52: {  	[bflag:$0x0] =	sbarrier.arrive $0xFFFF  }
0x53: {  	s20 =	rddreg [dreg:$0x12]  }
0x54: {  	s14 =	simm.s32 $0x0;
	s21 =	smov.u32 s10;
	s19 =	rddreg [dreg:$0x11]  }
.LBB2_2:
0x55: {  	_ =	swait.ge [sflag:s30], $0x80  }
0x56: {  	[sflag:s30] =	ssyncset.done $0x0  }
0x57: {  	[sflag:s30] =	ssyncadd.s32 $0xFFFFFF80  }
0x58: {  	_ =	swait.ge [sflag:s31], $0x4000  }
0x59: {  	p0 =	seq.s32 s14, $0x0;
	[sflag:s31] =	ssyncset.done $0x0  }
0x5a: {  	s15 =	simm.s32 @p0 $0x5;
	[sflag:s31] =	ssyncadd.s32 $0xFFFFC000  }
0x5b: {  	[spmem:s3] =	stream.indirect.scatter.add.f32 [tilespmem:s22], [sflag:$0x7], $0x80, s23, s0, $0xb8;
	[tilespmem:$0x1FE00] =	vst v63  }
0x5c: {  	_ =	swait.ge @p0 [sflag:s15], $0x80  }
0x5d: {  	[sflag:s15] =	ssyncset.done @p0 $0x0  }
0x5e: {  	[sflag:s15] =	ssyncadd.s32 @p0 $0xFFFFFF80;
	s15 =	simm.s32 @p0 $0x2  }
0x5f: {  	_ =	swait.ge @p0 [sflag:s15], $0x4000  }
0x60: {  	s16 =	simm.s32 @p0 $0x1FD00;
	[sflag:s15] =	ssyncset.done @p0 $0x0  }
0x61: {  	s17 =	simm.s32 @p0 $0x17C80;
	[sflag:s15] =	ssyncadd.s32 @p0 $0xFFFFC000;
	s15 =	simm.s32 @p0 $0x80  }
0x62: {  	[spmem:s3] =	stream.indirect.scatter.add.f32 @p0 [tilespmem:s17], [sflag:$0x8], $0x80, s16, s15, $0xb8;
	[tilespmem:$0x1FE00] =	vst v63  }
0x63: {  	s15 =	simm.s32 @!p0 $0x8  }
0x64: {  	_ =	swait.ge @!p0 [sflag:s15], $0x4000  }
0x65: {  	[sflag:s15] =	ssyncset.done @!p0 $0x0  }
0x66: {  	[sflag:s15] =	ssyncadd.s32 @!p0 $0xFFFFC000;
	s15 =	sadd.s32 @!p0 s14, s18  }
0x67: {  	s12 =	simm.s32 @!p0 $0x17C80;
	s17 =	simm.s32 @!p0 $0x0;
	s16 =	sadd.s32 @!p0 $0x4E2800, s15  }
0x68: {  	[tilespmem:s12], [sflag:$0x2] =	stream.linear.gather @!p0 [hbm4b:s16+s17], $0x4000, $0x38;
	[tilespmem:$0x1FE00] =	vst v63  }
0x69: {  	s11 =	simm.s32 @!p0 $0x5;
	s16 =	simm.s32 @!p0 $0x1FD00  }
0x6a: {  	[tilespmem:s16], [sflag:$0x5] =	stream.linear.gather @!p0 [hbm4b:s21+s17], $0x80, $0x38;
	[tilespmem:$0x1FE00] =	vst v63  }
0x6b: {  	_ =	swait.ge @!p0 [sflag:s11], $0x80  }
0x6c: {  	[sflag:s11] =	ssyncset.done @!p0 $0x0  }
0x6d: {  	[sflag:s11] =	ssyncadd.s32 @!p0 $0xFFFFFF80;
	s11 =	simm.s32 @!p0 $0x2  }
0x6e: {  	_ =	swait.ge @!p0 [sflag:s11], $0x4000  }
0x6f: {  	[sflag:s11] =	ssyncset.done @!p0 $0x0  }
0x70: {  	[sflag:s11] =	ssyncadd.s32 @!p0 $0xFFFFC000;
	s11 =	simm.s32 @!p0 $0x80  }
0x71: {  	[spmem:s3] =	stream.indirect.scatter.add.f32 @!p0 [tilespmem:s12], [sflag:$0x8], $0x80, s16, s11, $0xb8;
	[tilespmem:$0x1FE00] =	vst v63  }
0x72: {  	s11 =	simm.s32 @!p0 $0x9  }
0x73: {  	_ =	swait.ge @!p0 [sflag:s11], $0x4000  }
0x74: {  	[sflag:s11] =	ssyncset.done @!p0 $0x0  }
0x75: {  	s12 =	simm.s32 @!p0 $0x1BC80;
	[sflag:s11] =	ssyncadd.s32 @!p0 $0xFFFFC000;
	s11 =	sadd.s32 @!p0 $0x4E3000, s15  }
0x76: {  	[tilespmem:s12], [sflag:$0x3] =	stream.linear.gather @!p0 [hbm4b:s11+s17], $0x4000, $0x38;
	[tilespmem:$0x1FE00] =	vst v63  }
0x77: {  	s11 =	simm.s32 @!p0 $0x1FD80  }
0x78: {  	[tilespmem:s11], [sflag:$0x6] =	stream.linear.gather @!p0 [hbm4b:s20+s17], $0x80, $0x38;
	[tilespmem:$0x1FE00] =	vst v63  }
0x79: {  	_ =	swait.ge [sflag:s2], $0x80  }
0x7a: {  	[sflag:s2] =	ssyncset.done $0x0  }
0x7b: {  	[sflag:s2] =	ssyncadd.s32 $0xFFFFFF80  }
0x7c: {  	_ =	swait.ge [sflag:s24], $0x4000  }
0x7d: {  	p0 =	seq.s32 s14, $0x25800;
	[sflag:s24] =	ssyncset.done $0x0  }
.Ltmp2:
0x7e: {  	[sflag:s24] =	ssyncadd.s32 $0xFFFFC000;
	(pc) =	sbr.rel @p0 .LBB2_4-.Ltmp2, $4  }
0x7f: {  	[spmem:s3] =	stream.indirect.scatter.add.f32 [tilespmem:s26], [sflag:$0x9], $0x80, s28, s0, $0xb8;
	[tilespmem:$0x1FE00] =	vst v63  }
0x80: {  	_ =	swait.ge [sflag:s25], $0x4000  }
0x81: {  	[sflag:s25] =	ssyncset.done $0x0  }
0x82: {  	[sflag:s25] =	ssyncadd.s32 $0xFFFFC000  }
.Ltmp3:
0x83: {  	s11 =	sadd.s32 s14, s18;
	s17 =	sshrl.u32 s19, $0x3;
	(pc) =	sbr.rel .LBB2_2-.Ltmp3, $4  }
0x84: {  	s14 =	sadd.s32 $0x1800, s14;
	s19 =	sadd.s32 $0x180, s19;
	s11 =	sadd.s32 $0x4E3800, s11  }
0x85: {  	[tilespmem:s22], [sflag:$0x1] =	stream.linear.gather [hbm4b:s11+s4], $0x4000, $0x38;
	[tilespmem:$0x1FE00] =	vst v63  }
0x86: {  	s20 =	sadd.s32 $0x30, s20;
	s21 =	sadd.s32 $0x30, s21;
	s11 =	sadd.s32 s1, s17  }
0x87: {  	[tilespmem:s23], [sflag:$0x4] =	stream.linear.gather [hbm4b:s11+s4], $0x80, $0x38;
	[tilespmem:$0x1FE00] =	vst v63  }
.LBB2_5:
0x88: {  	_ =	sfence.sel $0x180000  }
0x89: {  	[bflag:$0x0] =	sbarrier.arrive $0xFFFF  }
0x8a: {  	_ =	strace $0x90000047  }
0x8b: {  	s0 =	stileid.u32;
	[bflag:$0x2] =	sbarrier.arrive $0xFFFF  }
0x8c: {  	p0 =	sne.s32 s0, $0x0;
	s0 =	rddreg [dreg:$0x4]  }
0x8d: {  	s0 =	sadd.s32 @!p0 $0x100000, s0  }
0x8e: {  	[sflag:s0] =	ssyncadd.tile.s32 @!p0 $0x1;
	_ =	shalt  }
.Lfunc_end2:
_tile_overlayer_lowered:
.L_overlay_start_2:
0x8f: {  	(tag) =	ssettag $0x2  }
0x90: {  	s0 =	rddreg [dreg:$0x0];
	s2 =	stileid.u32  }
0x91: {  	s1 =	rddreg [dreg:$0x1];
	p0 =	sne.s32 s2, $0x0  }
0x92: {  	s3 =	rddreg [dreg:$0x2];
	[bflag:$0x3] =	sbarrier.arrive $0xFFFF;
	s2 =	simm.s32 @!p0 $0x1C0A  }
0x93: {  	[timem:s3], [sflag:s2] =	dma.local @!p0 [hbm:s0], s1  }
0x94: {  	s0 =	simm.s32 @!p0 $0xA  }
0x95: {  	_ =	swait.ge @!p0 [sflag:s0], s1  }
0x96: {  	s1 =	ssub.s32 @!p0 $0x0, s1;
	[sflag:s0] =	ssyncset.done @!p0 $0x0  }
0x97: {  	[sflag:s0] =	ssyncadd.s32 @!p0 s1  }
0x98: {  	[bflag:$0x3] =	sbarrier.arrive $0xFFFF  }
0x99: {  	_ =	shalt  }

</sc_bundles>
